<compile_context>
chip_gen: v7x
topology: tpu7x:2x2x1
jax: 0.10.2.dev20260603
libtpu: 0.0.44.dev20260713+nightly
codegen_flags: <defaults>
</compile_context>

<pallas_src>
import functools

import jax
import jax.numpy as jnp
from jax import lax
from jax.experimental import pallas as pl
from jax.experimental.pallas import tpu as pltpu
from jax.experimental.pallas import tpu_sc as plsc

N = 4194304
NUM_TYPES = 64
NC = 2
NS = 16
L = 16
NW = NC * NS
PER_W = N // NW
CHUNK = 8192
NCHUNK = PER_W // CHUNK
NBUF = 6


def _sc_kernel(numbers_hbm, energy_hbm, table_hbm, out_hbm, tbl_v, *scratch):
    idx_bufs = scratch[0:NBUF]
    en_bufs = scratch[NBUF:2 * NBUF]
    nsems = scratch[2 * NBUF:3 * NBUF]
    esems = scratch[3 * NBUF:4 * NBUF]
    osems = scratch[4 * NBUF:5 * NBUF]

    wid = lax.axis_index("s") * NC + lax.axis_index("c")
    wbase = wid * PER_W
    pltpu.sync_copy(table_hbm, tbl_v)

    in_handles = {}
    out_handles = {}

    def start_in(c):
        b = c % NBUF
        s = pl.ds(wbase + c * CHUNK, CHUNK)
        hn = pltpu.async_copy(numbers_hbm.at[s], idx_bufs[b], nsems[b])
        he = pltpu.async_copy(energy_hbm.at[s], en_bufs[b], esems[b])
        in_handles[c] = (hn, he)

    def start_out(c):
        b = c % NBUF
        s = pl.ds(wbase + c * CHUNK, CHUNK)
        out_handles[c] = pltpu.async_copy(en_bufs[b], out_hbm.at[s], osems[b])

    for c in range(NBUF - 1):
        start_in(c)

    for c in range(NCHUNK):
        b = c % NBUF
        for h in in_handles.pop(c):
            h.wait()

        idx_b = idx_bufs[b]
        en_b = en_bufs[b]

        @plsc.parallel_loop(0, CHUNK // L, unroll=8)
        def _(i):
            s = pl.ds(i * L, L)
            sh = plsc.load_gather(tbl_v, [idx_b[s]])
            plsc.addupdate(en_b.at[s], sh)

        start_out(c)
        n = c + NBUF - 1
        if n < NCHUNK:
            if c >= 1:
                out_handles.pop(c - 1).wait()
            start_in(n)

    for c in sorted(out_handles):
        out_handles[c].wait()


def kernel(numbers, energy, table):
    tbl_flat = table.reshape(NUM_TYPES)
    mesh = plsc.VectorSubcoreMesh(core_axis_name="c", subcore_axis_name="s")
    run = functools.partial(
        pl.kernel,
        mesh=mesh,
        out_type=jax.ShapeDtypeStruct((N,), jnp.float32),
        scratch_types=(
            [pltpu.VMEM((NUM_TYPES,), jnp.float32)]
            + [pltpu.VMEM((CHUNK,), jnp.int32) for _ in range(NBUF)]
            + [pltpu.VMEM((CHUNK,), jnp.float32) for _ in range(NBUF)]
            + [pltpu.SemaphoreType.DMA for _ in range(3 * NBUF)]
        ),
        compiler_params=pltpu.CompilerParams(needs_layout_passes=False),
    )(_sc_kernel)
    return run(numbers, energy, tbl_flat)

# --- scband reference (transcript-rebuilt; emitter-appended) ---
"""Pipeline reference for scband-atomic-shift-47991964566155 (READ-ONLY COPY).

The authoritative reference and input builder live on the scoring server;
editing this copy changes nothing except your own understanding.
"""

import jax, jax.numpy as jnp
import numpy as np

N = 4194304
NUM_TYPES = 64

def setup_inputs(seed: int = 0) -> dict:
    key = jax.random.key(seed)
    k1, k2, k3 = jax.random.split(key, 3)
    numbers = jax.random.randint(k1, (N,), 0, NUM_TYPES, dtype=jnp.int32)
    energy = jax.random.normal(k2, (N,), dtype=jnp.float32)
    # Learned shift table (nn.Embedding(num_types, 1, padding_idx=0)).
    # Torch init is zeros; use small random values so the gather is exercised,
    # but keep the padding row (index 0) at zero per padding_idx semantics.
    table = jax.random.normal(k3, (NUM_TYPES, 1), dtype=jnp.float32) * 0.01
    table = table.at[0].set(0.0)
    return {"numbers": numbers, "energy": energy, "table": table}

def reference(numbers, energy, table):
    # shifts = self.shifts(data['numbers'].long()).squeeze(-1)
    shifts = jnp.take(table, numbers, axis=0).squeeze(-1)
    # reduce_sum=False, so no sum over last dim
    # data['energy_shifted'] = data['energy'] + shifts
    out = energy + shifts
    return out

if __name__ == "__main__":
    import jax
    _d = setup_inputs()
    print(jax.jit(kernel)(*tuple(_d.values())))

</pallas_src>

<mosaic_0001>
#map = affine_map<(d0, d1) -> (0)>
module attributes {stable_mosaic.version = 14 : i64} {
  func.func @_sc_kernel(%arg0: i32, %arg1: i32, %arg2: memref<4194304xi32, #tpu.memory_space<hbm>>, %arg3: memref<4194304xf32, #tpu.memory_space<hbm>>, %arg4: memref<64xf32, #tpu.memory_space<hbm>>, %arg5: memref<4194304xf32, #tpu.memory_space<hbm>>, %arg6: memref<64xf32, #tpu.memory_space<vmem>>, %arg7: memref<8192xi32, #tpu.memory_space<vmem>>, %arg8: memref<8192xi32, #tpu.memory_space<vmem>>, %arg9: memref<8192xi32, #tpu.memory_space<vmem>>, %arg10: memref<8192xi32, #tpu.memory_space<vmem>>, %arg11: memref<8192xi32, #tpu.memory_space<vmem>>, %arg12: memref<8192xi32, #tpu.memory_space<vmem>>, %arg13: memref<8192xf32, #tpu.memory_space<vmem>>, %arg14: memref<8192xf32, #tpu.memory_space<vmem>>, %arg15: memref<8192xf32, #tpu.memory_space<vmem>>, %arg16: memref<8192xf32, #tpu.memory_space<vmem>>, %arg17: memref<8192xf32, #tpu.memory_space<vmem>>, %arg18: memref<8192xf32, #tpu.memory_space<vmem>>, %arg19: memref<!tpu.dma_semaphore, #tpu.memory_space<semaphore_mem>>, %arg20: memref<!tpu.dma_semaphore, #tpu.memory_space<semaphore_mem>>, %arg21: memref<!tpu.dma_semaphore, #tpu.memory_space<semaphore_mem>>, %arg22: memref<!tpu.dma_semaphore, #tpu.memory_space<semaphore_mem>>, %arg23: memref<!tpu.dma_semaphore, #tpu.memory_space<semaphore_mem>>, %arg24: memref<!tpu.dma_semaphore, #tpu.memory_space<semaphore_mem>>, %arg25: memref<!tpu.dma_semaphore, #tpu.memory_space<semaphore_mem>>, %arg26: memref<!tpu.dma_semaphore, #tpu.memory_space<semaphore_mem>>, %arg27: memref<!tpu.dma_semaphore, #tpu.memory_space<semaphore_mem>>, %arg28: memref<!tpu.dma_semaphore, #tpu.memory_space<semaphore_mem>>, %arg29: memref<!tpu.dma_semaphore, #tpu.memory_space<semaphore_mem>>, %arg30: memref<!tpu.dma_semaphore, #tpu.memory_space<semaphore_mem>>, %arg31: memref<!tpu.dma_semaphore, #tpu.memory_space<semaphore_mem>>, %arg32: memref<!tpu.dma_semaphore, #tpu.memory_space<semaphore_mem>>, %arg33: memref<!tpu.dma_semaphore, #tpu.memory_space<semaphore_mem>>, %arg34: memref<!tpu.dma_semaphore, #tpu.memory_space<semaphore_mem>>, %arg35: memref<!tpu.dma_semaphore, #tpu.memory_space<semaphore_mem>>, %arg36: memref<!tpu.dma_semaphore, #tpu.memory_space<semaphore_mem>>) attributes {dimension_semantics = [#tpu.dimension_semantics<core_parallel>, #tpu.dimension_semantics<subcore_parallel>], iteration_bounds = array<i64: 2, 16>, scalar_prefetch = 0 : i64, scratch_operands = 31 : i64, tpu.core_type = #tpu.core_type<sc_vector_subcore>, window_params = [{transform_indices = #map}, {transform_indices = #map}, {transform_indices = #map}, {transform_indices = #map}]} {
    %mul3A = arith.constant 2 : i32
    %mul3A_0 = arith.muli %arg1, %mul3A : i32
    %add3A = arith.addi %mul3A_0, %arg0 : i32
    %mul3A_1 = arith.constant 131072 : i32
    %mul3A_2 = arith.muli %add3A, %mul3A_1 : i32
    "tpu.region"() ({
      %run_scoped3A = tpu.sem_alloc : memref<!tpu.dma_semaphore, #tpu.memory_space<semaphore_mem>>
      tpu.enqueue_dma source(%arg4 : memref<64xf32, #tpu.memory_space<hbm>>) target(%arg6 : memref<64xf32, #tpu.memory_space<vmem>>) target_semaphore(%run_scoped3A : memref<!tpu.dma_semaphore, #tpu.memory_space<semaphore_mem>>)
      tpu.wait_dma2 semaphore(%run_scoped3A : memref<!tpu.dma_semaphore, #tpu.memory_space<semaphore_mem>>) src(%arg4 : memref<64xf32, #tpu.memory_space<hbm>>) dst(%arg6 : memref<64xf32, #tpu.memory_space<vmem>>)
      tpu.yield
    }) : () -> ()
    %add3A_3 = arith.constant 0 : i32
    %add3A_4 = arith.addi %mul3A_2, %add3A_3 : i32
    %dma_start3A = tpu.memref_slice %arg2[%add3A_4] : memref<4194304xi32, #tpu.memory_space<hbm>> -> memref<8192xi32, #tpu.memory_space<hbm>>
    %dma_start3A_5 = tpu.memref_slice %arg2[%add3A_4] : memref<4194304xi32, #tpu.memory_space<hbm>> -> memref<8192xi32, #tpu.memory_space<hbm>>
    tpu.enqueue_dma source(%dma_start3A_5 : memref<8192xi32, #tpu.memory_space<hbm>>) target(%arg7 : memref<8192xi32, #tpu.memory_space<vmem>>) target_semaphore(%arg19 : memref<!tpu.dma_semaphore, #tpu.memory_space<semaphore_mem>>)
    %dma_start3A_6 = tpu.memref_slice %arg3[%add3A_4] : memref<4194304xf32, #tpu.memory_space<hbm>> -> memref<8192xf32, #tpu.memory_space<hbm>>
    %dma_start3A_7 = tpu.memref_slice %arg3[%add3A_4] : memref<4194304xf32, #tpu.memory_space<hbm>> -> memref<8192xf32, #tpu.memory_space<hbm>>
    tpu.enqueue_dma source(%dma_start3A_7 : memref<8192xf32, #tpu.memory_space<hbm>>) target(%arg13 : memref<8192xf32, #tpu.memory_space<vmem>>) target_semaphore(%arg25 : memref<!tpu.dma_semaphore, #tpu.memory_space<semaphore_mem>>)
    %add3A_8 = arith.constant 8192 : i32
    %add3A_9 = arith.addi %mul3A_2, %add3A_8 : i32
    %dma_start3A_10 = tpu.memref_slice %arg2[%add3A_9] : memref<4194304xi32, #tpu.memory_space<hbm>> -> memref<8192xi32, #tpu.memory_space<hbm>>
    %dma_start3A_11 = tpu.memref_slice %arg2[%add3A_9] : memref<4194304xi32, #tpu.memory_space<hbm>> -> memref<8192xi32, #tpu.memory_space<hbm>>
    tpu.enqueue_dma source(%dma_start3A_11 : memref<8192xi32, #tpu.memory_space<hbm>>) target(%arg8 : memref<8192xi32, #tpu.memory_space<vmem>>) target_semaphore(%arg20 : memref<!tpu.dma_semaphore, #tpu.memory_space<semaphore_mem>>)
    %dma_start3A_12 = tpu.memref_slice %arg3[%add3A_9] : memref<4194304xf32, #tpu.memory_space<hbm>> -> memref<8192xf32, #tpu.memory_space<hbm>>
    %dma_start3A_13 = tpu.memref_slice %arg3[%add3A_9] : memref<4194304xf32, #tpu.memory_space<hbm>> -> memref<8192xf32, #tpu.memory_space<hbm>>
    tpu.enqueue_dma source(%dma_start3A_13 : memref<8192xf32, #tpu.memory_space<hbm>>) target(%arg14 : memref<8192xf32, #tpu.memory_space<vmem>>) target_semaphore(%arg26 : memref<!tpu.dma_semaphore, #tpu.memory_space<semaphore_mem>>)
    %add3A_14 = arith.constant 16384 : i32
    %add3A_15 = arith.addi %mul3A_2, %add3A_14 : i32
    %dma_start3A_16 = tpu.memref_slice %arg2[%add3A_15] : memref<4194304xi32, #tpu.memory_space<hbm>> -> memref<8192xi32, #tpu.memory_space<hbm>>
    %dma_start3A_17 = tpu.memref_slice %arg2[%add3A_15] : memref<4194304xi32, #tpu.memory_space<hbm>> -> memref<8192xi32, #tpu.memory_space<hbm>>
    tpu.enqueue_dma source(%dma_start3A_17 : memref<8192xi32, #tpu.memory_space<hbm>>) target(%arg9 : memref<8192xi32, #tpu.memory_space<vmem>>) target_semaphore(%arg21 : memref<!tpu.dma_semaphore, #tpu.memory_space<semaphore_mem>>)
    %dma_start3A_18 = tpu.memref_slice %arg3[%add3A_15] : memref<4194304xf32, #tpu.memory_space<hbm>> -> memref<8192xf32, #tpu.memory_space<hbm>>
    %dma_start3A_19 = tpu.memref_slice %arg3[%add3A_15] : memref<4194304xf32, #tpu.memory_space<hbm>> -> memref<8192xf32, #tpu.memory_space<hbm>>
    tpu.enqueue_dma source(%dma_start3A_19 : memref<8192xf32, #tpu.memory_space<hbm>>) target(%arg15 : memref<8192xf32, #tpu.memory_space<vmem>>) target_semaphore(%arg27 : memref<!tpu.dma_semaphore, #tpu.memory_space<semaphore_mem>>)
    %add3A_20 = arith.constant 24576 : i32
    %add3A_21 = arith.addi %mul3A_2, %add3A_20 : i32
    %dma_start3A_22 = tpu.memref_slice %arg2[%add3A_21] : memref<4194304xi32, #tpu.memory_space<hbm>> -> memref<8192xi32, #tpu.memory_space<hbm>>
    %dma_start3A_23 = tpu.memref_slice %arg2[%add3A_21] : memref<4194304xi32, #tpu.memory_space<hbm>> -> memref<8192xi32, #tpu.memory_space<hbm>>
    tpu.enqueue_dma source(%dma_start3A_23 : memref<8192xi32, #tpu.memory_space<hbm>>) target(%arg10 : memref<8192xi32, #tpu.memory_space<vmem>>) target_semaphore(%arg22 : memref<!tpu.dma_semaphore, #tpu.memory_space<semaphore_mem>>)
    %dma_start3A_24 = tpu.memref_slice %arg3[%add3A_21] : memref<4194304xf32, #tpu.memory_space<hbm>> -> memref<8192xf32, #tpu.memory_space<hbm>>
    %dma_start3A_25 = tpu.memref_slice %arg3[%add3A_21] : memref<4194304xf32, #tpu.memory_space<hbm>> -> memref<8192xf32, #tpu.memory_space<hbm>>
    tpu.enqueue_dma source(%dma_start3A_25 : memref<8192xf32, #tpu.memory_space<hbm>>) target(%arg16 : memref<8192xf32, #tpu.memory_space<vmem>>) target_semaphore(%arg28 : memref<!tpu.dma_semaphore, #tpu.memory_space<semaphore_mem>>)
    %add3A_26 = arith.constant 32768 : i32
    %add3A_27 = arith.addi %mul3A_2, %add3A_26 : i32
    %dma_start3A_28 = tpu.memref_slice %arg2[%add3A_27] : memref<4194304xi32, #tpu.memory_space<hbm>> -> memref<8192xi32, #tpu.memory_space<hbm>>
    %dma_start3A_29 = tpu.memref_slice %arg2[%add3A_27] : memref<4194304xi32, #tpu.memory_space<hbm>> -> memref<8192xi32, #tpu.memory_space<hbm>>
    tpu.enqueue_dma source(%dma_start3A_29 : memref<8192xi32, #tpu.memory_space<hbm>>) target(%arg11 : memref<8192xi32, #tpu.memory_space<vmem>>) target_semaphore(%arg23 : memref<!tpu.dma_semaphore, #tpu.memory_space<semaphore_mem>>)
    %dma_start3A_30 = tpu.memref_slice %arg3[%add3A_27] : memref<4194304xf32, #tpu.memory_space<hbm>> -> memref<8192xf32, #tpu.memory_space<hbm>>
    %dma_start3A_31 = tpu.memref_slice %arg3[%add3A_27] : memref<4194304xf32, #tpu.memory_space<hbm>> -> memref<8192xf32, #tpu.memory_space<hbm>>
    tpu.enqueue_dma source(%dma_start3A_31 : memref<8192xf32, #tpu.memory_space<hbm>>) target(%arg17 : memref<8192xf32, #tpu.memory_space<vmem>>) target_semaphore(%arg29 : memref<!tpu.dma_semaphore, #tpu.memory_space<semaphore_mem>>)
    %dma_wait3A = tpu.memref_slice %arg2[%add3A_4] : memref<4194304xi32, #tpu.memory_space<hbm>> -> memref<8192xi32, #tpu.memory_space<hbm>>
    %dma_wait3A_32 = tpu.memref_slice %arg2[%add3A_4] : memref<4194304xi32, #tpu.memory_space<hbm>> -> memref<8192xi32, #tpu.memory_space<hbm>>
    tpu.wait_dma2 semaphore(%arg19 : memref<!tpu.dma_semaphore, #tpu.memory_space<semaphore_mem>>) src(%dma_wait3A_32 : memref<8192xi32, #tpu.memory_space<hbm>>) dst(%arg7 : memref<8192xi32, #tpu.memory_space<vmem>>)
    %dma_wait3A_33 = tpu.memref_slice %arg3[%add3A_4] : memref<4194304xf32, #tpu.memory_space<hbm>> -> memref<8192xf32, #tpu.memory_space<hbm>>
    %dma_wait3A_34 = tpu.memref_slice %arg3[%add3A_4] : memref<4194304xf32, #tpu.memory_space<hbm>> -> memref<8192xf32, #tpu.memory_space<hbm>>
    tpu.wait_dma2 semaphore(%arg25 : memref<!tpu.dma_semaphore, #tpu.memory_space<semaphore_mem>>) src(%dma_wait3A_34 : memref<8192xf32, #tpu.memory_space<hbm>>) dst(%arg13 : memref<8192xf32, #tpu.memory_space<vmem>>)
    %parallel_loop3A = arith.constant 0 : i32
    %parallel_loop3A_35 = arith.constant 512 : i32
    %parallel_loop3A_36 = arith.constant 1 : i32
    scf.for %parallel_loop3A_304 = %parallel_loop3A to %parallel_loop3A_35 step %parallel_loop3A_36  : i32 {
      %parallel_loop3A_305 = arith.constant 16 : i32
      %parallel_loop3A_306 = arith.muli %parallel_loop3A_304, %parallel_loop3A_305 : i32
      %parallel_loop3A_307 = arith.index_cast %parallel_loop3A_306 : i32 to index
      %parallel_loop3A_308 = tpu.vector_load %arg7[%parallel_loop3A_307] {strides = array<i32>} : memref<8192xi32, #tpu.memory_space<vmem>>, vector<16xi32>,
      %parallel_loop3A_309 = tpu.vector_load_idx %arg6[%parallel_loop3A_308] : memref<64xf32, #tpu.memory_space<vmem>>[vector<16xi32>], vector<16xf32>,
      %parallel_loop3A_310 = arith.index_cast %parallel_loop3A_306 : i32 to index
      %parallel_loop3A_311 = tpu.vector_load %arg13[%parallel_loop3A_310] {strides = array<i32>} : memref<8192xf32, #tpu.memory_space<vmem>>, vector<16xf32>,
      tpu.vector_store %arg13[%parallel_loop3A_310], %parallel_loop3A_309 {add = true, strides = array<i32>} : memref<8192xf32, #tpu.memory_space<vmem>>, vector<16xf32>,
    } {sc.loop_unroll_factor = 8 : i64, sc.parallel_access}
    %add3A_37 = arith.constant 0 : i32
    %add3A_38 = arith.addi %mul3A_2, %add3A_37 : i32
    %dma_start3A_39 = tpu.memref_slice %arg5[%add3A_38] : memref<4194304xf32, #tpu.memory_space<hbm>> -> memref<8192xf32, #tpu.memory_space<hbm>>
    %dma_start3A_40 = tpu.memref_slice %arg5[%add3A_38] : memref<4194304xf32, #tpu.memory_space<hbm>> -> memref<8192xf32, #tpu.memory_space<hbm>>
    tpu.enqueue_dma source(%arg13 : memref<8192xf32, #tpu.memory_space<vmem>>) target(%dma_start3A_40 : memref<8192xf32, #tpu.memory_space<hbm>>) target_semaphore(%arg31 : memref<!tpu.dma_semaphore, #tpu.memory_space<semaphore_mem>>)
    %add3A_41 = arith.constant 40960 : i32
    %add3A_42 = arith.addi %mul3A_2, %add3A_41 : i32
    %dma_start3A_43 = tpu.memref_slice %arg2[%add3A_42] : memref<4194304xi32, #tpu.memory_space<hbm>> -> memref<8192xi32, #tpu.memory_space<hbm>>
    %dma_start3A_44 = tpu.memref_slice %arg2[%add3A_42] : memref<4194304xi32, #tpu.memory_space<hbm>> -> memref<8192xi32, #tpu.memory_space<hbm>>
    tpu.enqueue_dma source(%dma_start3A_44 : memref<8192xi32, #tpu.memory_space<hbm>>) target(%arg12 : memref<8192xi32, #tpu.memory_space<vmem>>) target_semaphore(%arg24 : memref<!tpu.dma_semaphore, #tpu.memory_space<semaphore_mem>>)
    %dma_start3A_45 = tpu.memref_slice %arg3[%add3A_42] : memref<4194304xf32, #tpu.memory_space<hbm>> -> memref<8192xf32, #tpu.memory_space<hbm>>
    %dma_start3A_46 = tpu.memref_slice %arg3[%add3A_42] : memref<4194304xf32, #tpu.memory_space<hbm>> -> memref<8192xf32, #tpu.memory_space<hbm>>
    tpu.enqueue_dma source(%dma_start3A_46 : memref<8192xf32, #tpu.memory_space<hbm>>) target(%arg18 : memref<8192xf32, #tpu.memory_space<vmem>>) target_semaphore(%arg30 : memref<!tpu.dma_semaphore, #tpu.memory_space<semaphore_mem>>)
    %dma_wait3A_47 = tpu.memref_slice %arg2[%add3A_9] : memref<4194304xi32, #tpu.memory_space<hbm>> -> memref<8192xi32, #tpu.memory_space<hbm>>
    %dma_wait3A_48 = tpu.memref_slice %arg2[%add3A_9] : memref<4194304xi32, #tpu.memory_space<hbm>> -> memref<8192xi32, #tpu.memory_space<hbm>>
    tpu.wait_dma2 semaphore(%arg20 : memref<!tpu.dma_semaphore, #tpu.memory_space<semaphore_mem>>) src(%dma_wait3A_48 : memref<8192xi32, #tpu.memory_space<hbm>>) dst(%arg8 : memref<8192xi32, #tpu.memory_space<vmem>>)
    %dma_wait3A_49 = tpu.memref_slice %arg3[%add3A_9] : memref<4194304xf32, #tpu.memory_space<hbm>> -> memref<8192xf32, #tpu.memory_space<hbm>>
    %dma_wait3A_50 = tpu.memref_slice %arg3[%add3A_9] : memref<4194304xf32, #tpu.memory_space<hbm>> -> memref<8192xf32, #tpu.memory_space<hbm>>
    tpu.wait_dma2 semaphore(%arg26 : memref<!tpu.dma_semaphore, #tpu.memory_space<semaphore_mem>>) src(%dma_wait3A_50 : memref<8192xf32, #tpu.memory_space<hbm>>) dst(%arg14 : memref<8192xf32, #tpu.memory_space<vmem>>)
    %parallel_loop3A_51 = arith.constant 0 : i32
    %parallel_loop3A_52 = arith.constant 512 : i32
    %parallel_loop3A_53 = arith.constant 1 : i32
    scf.for %parallel_loop3A_304 = %parallel_loop3A_51 to %parallel_loop3A_52 step %parallel_loop3A_53  : i32 {
      %parallel_loop3A_305 = arith.constant 16 : i32
      %parallel_loop3A_306 = arith.muli %parallel_loop3A_304, %parallel_loop3A_305 : i32
      %parallel_loop3A_307 = arith.index_cast %parallel_loop3A_306 : i32 to index
      %parallel_loop3A_308 = tpu.vector_load %arg8[%parallel_loop3A_307] {strides = array<i32>} : memref<8192xi32, #tpu.memory_space<vmem>>, vector<16xi32>,
      %parallel_loop3A_309 = tpu.vector_load_idx %arg6[%parallel_loop3A_308] : memref<64xf32, #tpu.memory_space<vmem>>[vector<16xi32>], vector<16xf32>,
      %parallel_loop3A_310 = arith.index_cast %parallel_loop3A_306 : i32 to index
      %parallel_loop3A_311 = tpu.vector_load %arg14[%parallel_loop3A_310] {strides = array<i32>} : memref<8192xf32, #tpu.memory_space<vmem>>, vector<16xf32>,
      tpu.vector_store %arg14[%parallel_loop3A_310], %parallel_loop3A_309 {add = true, strides = array<i32>} : memref<8192xf32, #tpu.memory_space<vmem>>, vector<16xf32>,
    } {sc.loop_unroll_factor = 8 : i64, sc.parallel_access}
    %add3A_54 = arith.constant 8192 : i32
    %add3A_55 = arith.addi %mul3A_2, %add3A_54 : i32
    %dma_start3A_56 = tpu.memref_slice %arg5[%add3A_55] : memref<4194304xf32, #tpu.memory_space<hbm>> -> memref<8192xf32, #tpu.memory_space<hbm>>
    %dma_start3A_57 = tpu.memref_slice %arg5[%add3A_55] : memref<4194304xf32, #tpu.memory_space<hbm>> -> memref<8192xf32, #tpu.memory_space<hbm>>
    tpu.enqueue_dma source(%arg14 : memref<8192xf32, #tpu.memory_space<vmem>>) target(%dma_start3A_57 : memref<8192xf32, #tpu.memory_space<hbm>>) target_semaphore(%arg32 : memref<!tpu.dma_semaphore, #tpu.memory_space<semaphore_mem>>)
    %dma_wait3A_58 = tpu.memref_slice %arg5[%add3A_38] : memref<4194304xf32, #tpu.memory_space<hbm>> -> memref<8192xf32, #tpu.memory_space<hbm>>
    %dma_wait3A_59 = tpu.memref_slice %arg5[%add3A_38] : memref<4194304xf32, #tpu.memory_space<hbm>> -> memref<8192xf32, #tpu.memory_space<hbm>>
    tpu.wait_dma2 semaphore(%arg31 : memref<!tpu.dma_semaphore, #tpu.memory_space<semaphore_mem>>) src(%arg13 : memref<8192xf32, #tpu.memory_space<vmem>>) dst(%dma_wait3A_59 : memref<8192xf32, #tpu.memory_space<hbm>>)
    %add3A_60 = arith.constant 49152 : i32
    %add3A_61 = arith.addi %mul3A_2, %add3A_60 : i32
    %dma_start3A_62 = tpu.memref_slice %arg2[%add3A_61] : memref<4194304xi32, #tpu.memory_space<hbm>> -> memref<8192xi32, #tpu.memory_space<hbm>>
    %dma_start3A_63 = tpu.memref_slice %arg2[%add3A_61] : memref<4194304xi32, #tpu.memory_space<hbm>> -> memref<8192xi32, #tpu.memory_space<hbm>>
    tpu.enqueue_dma source(%dma_start3A_63 : memref<8192xi32, #tpu.memory_space<hbm>>) target(%arg7 : memref<8192xi32, #tpu.memory_space<vmem>>) target_semaphore(%arg19 : memref<!tpu.dma_semaphore, #tpu.memory_space<semaphore_mem>>)
    %dma_start3A_64 = tpu.memref_slice %arg3[%add3A_61] : memref<4194304xf32, #tpu.memory_space<hbm>> -> memref<8192xf32, #tpu.memory_space<hbm>>
    %dma_start3A_65 = tpu.memref_slice %arg3[%add3A_61] : memref<4194304xf32, #tpu.memory_space<hbm>> -> memref<8192xf32, #tpu.memory_space<hbm>>
    tpu.enqueue_dma source(%dma_start3A_65 : memref<8192xf32, #tpu.memory_space<hbm>>) target(%arg13 : memref<8192xf32, #tpu.memory_space<vmem>>) target_semaphore(%arg25 : memref<!tpu.dma_semaphore, #tpu.memory_space<semaphore_mem>>)
    %dma_wait3A_66 = tpu.memref_slice %arg2[%add3A_15] : memref<4194304xi32, #tpu.memory_space<hbm>> -> memref<8192xi32, #tpu.memory_space<hbm>>
    %dma_wait3A_67 = tpu.memref_slice %arg2[%add3A_15] : memref<4194304xi32, #tpu.memory_space<hbm>> -> memref<8192xi32, #tpu.memory_space<hbm>>
    tpu.wait_dma2 semaphore(%arg21 : memref<!tpu.dma_semaphore, #tpu.memory_space<semaphore_mem>>) src(%dma_wait3A_67 : memref<8192xi32, #tpu.memory_space<hbm>>) dst(%arg9 : memref<8192xi32, #tpu.memory_space<vmem>>)
    %dma_wait3A_68 = tpu.memref_slice %arg3[%add3A_15] : memref<4194304xf32, #tpu.memory_space<hbm>> -> memref<8192xf32, #tpu.memory_space<hbm>>
    %dma_wait3A_69 = tpu.memref_slice %arg3[%add3A_15] : memref<4194304xf32, #tpu.memory_space<hbm>> -> memref<8192xf32, #tpu.memory_space<hbm>>
    tpu.wait_dma2 semaphore(%arg27 : memref<!tpu.dma_semaphore, #tpu.memory_space<semaphore_mem>>) src(%dma_wait3A_69 : memref<8192xf32, #tpu.memory_space<hbm>>) dst(%arg15 : memref<8192xf32, #tpu.memory_space<vmem>>)
    %parallel_loop3A_70 = arith.constant 0 : i32
    %parallel_loop3A_71 = arith.constant 512 : i32
    %parallel_loop3A_72 = arith.constant 1 : i32
    scf.for %parallel_loop3A_304 = %parallel_loop3A_70 to %parallel_loop3A_71 step %parallel_loop3A_72  : i32 {
      %parallel_loop3A_305 = arith.constant 16 : i32
      %parallel_loop3A_306 = arith.muli %parallel_loop3A_304, %parallel_loop3A_305 : i32
      %parallel_loop3A_307 = arith.index_cast %parallel_loop3A_306 : i32 to index
      %parallel_loop3A_308 = tpu.vector_load %arg9[%parallel_loop3A_307] {strides = array<i32>} : memref<8192xi32, #tpu.memory_space<vmem>>, vector<16xi32>,
      %parallel_loop3A_309 = tpu.vector_load_idx %arg6[%parallel_loop3A_308] : memref<64xf32, #tpu.memory_space<vmem>>[vector<16xi32>], vector<16xf32>,
      %parallel_loop3A_310 = arith.index_cast %parallel_loop3A_306 : i32 to index
      %parallel_loop3A_311 = tpu.vector_load %arg15[%parallel_loop3A_310] {strides = array<i32>} : memref<8192xf32, #tpu.memory_space<vmem>>, vector<16xf32>,
      tpu.vector_store %arg15[%parallel_loop3A_310], %parallel_loop3A_309 {add = true, strides = array<i32>} : memref<8192xf32, #tpu.memory_space<vmem>>, vector<16xf32>,
    } {sc.loop_unroll_factor = 8 : i64, sc.parallel_access}
    %add3A_73 = arith.constant 16384 : i32
    %add3A_74 = arith.addi %mul3A_2, %add3A_73 : i32
    %dma_start3A_75 = tpu.memref_slice %arg5[%add3A_74] : memref<4194304xf32, #tpu.memory_space<hbm>> -> memref<8192xf32, #tpu.memory_space<hbm>>
    %dma_start3A_76 = tpu.memref_slice %arg5[%add3A_74] : memref<4194304xf32, #tpu.memory_space<hbm>> -> memref<8192xf32, #tpu.memory_space<hbm>>
    tpu.enqueue_dma source(%arg15 : memref<8192xf32, #tpu.memory_space<vmem>>) target(%dma_start3A_76 : memref<8192xf32, #tpu.memory_space<hbm>>) target_semaphore(%arg33 : memref<!tpu.dma_semaphore, #tpu.memory_space<semaphore_mem>>)
    %dma_wait3A_77 = tpu.memref_slice %arg5[%add3A_55] : memref<4194304xf32, #tpu.memory_space<hbm>> -> memref<8192xf32, #tpu.memory_space<hbm>>
    %dma_wait3A_78 = tpu.memref_slice %arg5[%add3A_55] : memref<4194304xf32, #tpu.memory_space<hbm>> -> memref<8192xf32, #tpu.memory_space<hbm>>
    tpu.wait_dma2 semaphore(%arg32 : memref<!tpu.dma_semaphore, #tpu.memory_space<semaphore_mem>>) src(%arg14 : memref<8192xf32, #tpu.memory_space<vmem>>) dst(%dma_wait3A_78 : memref<8192xf32, #tpu.memory_space<hbm>>)
    %add3A_79 = arith.constant 57344 : i32
    %add3A_80 = arith.addi %mul3A_2, %add3A_79 : i32
    %dma_start3A_81 = tpu.memref_slice %arg2[%add3A_80] : memref<4194304xi32, #tpu.memory_space<hbm>> -> memref<8192xi32, #tpu.memory_space<hbm>>
    %dma_start3A_82 = tpu.memref_slice %arg2[%add3A_80] : memref<4194304xi32, #tpu.memory_space<hbm>> -> memref<8192xi32, #tpu.memory_space<hbm>>
    tpu.enqueue_dma source(%dma_start3A_82 : memref<8192xi32, #tpu.memory_space<hbm>>) target(%arg8 : memref<8192xi32, #tpu.memory_space<vmem>>) target_semaphore(%arg20 : memref<!tpu.dma_semaphore, #tpu.memory_space<semaphore_mem>>)
    %dma_start3A_83 = tpu.memref_slice %arg3[%add3A_80] : memref<4194304xf32, #tpu.memory_space<hbm>> -> memref<8192xf32, #tpu.memory_space<hbm>>
    %dma_start3A_84 = tpu.memref_slice %arg3[%add3A_80] : memref<4194304xf32, #tpu.memory_space<hbm>> -> memref<8192xf32, #tpu.memory_space<hbm>>
    tpu.enqueue_dma source(%dma_start3A_84 : memref<8192xf32, #tpu.memory_space<hbm>>) target(%arg14 : memref<8192xf32, #tpu.memory_space<vmem>>) target_semaphore(%arg26 : memref<!tpu.dma_semaphore, #tpu.memory_space<semaphore_mem>>)
    %dma_wait3A_85 = tpu.memref_slice %arg2[%add3A_21] : memref<4194304xi32, #tpu.memory_space<hbm>> -> memref<8192xi32, #tpu.memory_space<hbm>>
    %dma_wait3A_86 = tpu.memref_slice %arg2[%add3A_21] : memref<4194304xi32, #tpu.memory_space<hbm>> -> memref<8192xi32, #tpu.memory_space<hbm>>
    tpu.wait_dma2 semaphore(%arg22 : memref<!tpu.dma_semaphore, #tpu.memory_space<semaphore_mem>>) src(%dma_wait3A_86 : memref<8192xi32, #tpu.memory_space<hbm>>) dst(%arg10 : memref<8192xi32, #tpu.memory_space<vmem>>)
    %dma_wait3A_87 = tpu.memref_slice %arg3[%add3A_21] : memref<4194304xf32, #tpu.memory_space<hbm>> -> memref<8192xf32, #tpu.memory_space<hbm>>
    %dma_wait3A_88 = tpu.memref_slice %arg3[%add3A_21] : memref<4194304xf32, #tpu.memory_space<hbm>> -> memref<8192xf32, #tpu.memory_space<hbm>>
    tpu.wait_dma2 semaphore(%arg28 : memref<!tpu.dma_semaphore, #tpu.memory_space<semaphore_mem>>) src(%dma_wait3A_88 : memref<8192xf32, #tpu.memory_space<hbm>>) dst(%arg16 : memref<8192xf32, #tpu.memory_space<vmem>>)
    %parallel_loop3A_89 = arith.constant 0 : i32
    %parallel_loop3A_90 = arith.constant 512 : i32
    %parallel_loop3A_91 = arith.constant 1 : i32
    scf.for %parallel_loop3A_304 = %parallel_loop3A_89 to %parallel_loop3A_90 step %parallel_loop3A_91  : i32 {
      %parallel_loop3A_305 = arith.constant 16 : i32
      %parallel_loop3A_306 = arith.muli %parallel_loop3A_304, %parallel_loop3A_305 : i32
      %parallel_loop3A_307 = arith.index_cast %parallel_loop3A_306 : i32 to index
      %parallel_loop3A_308 = tpu.vector_load %arg10[%parallel_loop3A_307] {strides = array<i32>} : memref<8192xi32, #tpu.memory_space<vmem>>, vector<16xi32>,
      %parallel_loop3A_309 = tpu.vector_load_idx %arg6[%parallel_loop3A_308] : memref<64xf32, #tpu.memory_space<vmem>>[vector<16xi32>], vector<16xf32>,
      %parallel_loop3A_310 = arith.index_cast %parallel_loop3A_306 : i32 to index
      %parallel_loop3A_311 = tpu.vector_load %arg16[%parallel_loop3A_310] {strides = array<i32>} : memref<8192xf32, #tpu.memory_space<vmem>>, vector<16xf32>,
      tpu.vector_store %arg16[%parallel_loop3A_310], %parallel_loop3A_309 {add = true, strides = array<i32>} : memref<8192xf32, #tpu.memory_space<vmem>>, vector<16xf32>,
    } {sc.loop_unroll_factor = 8 : i64, sc.parallel_access}
    %add3A_92 = arith.constant 24576 : i32
    %add3A_93 = arith.addi %mul3A_2, %add3A_92 : i32
    %dma_start3A_94 = tpu.memref_slice %arg5[%add3A_93] : memref<4194304xf32, #tpu.memory_space<hbm>> -> memref<8192xf32, #tpu.memory_space<hbm>>
    %dma_start3A_95 = tpu.memref_slice %arg5[%add3A_93] : memref<4194304xf32, #tpu.memory_space<hbm>> -> memref<8192xf32, #tpu.memory_space<hbm>>
    tpu.enqueue_dma source(%arg16 : memref<8192xf32, #tpu.memory_space<vmem>>) target(%dma_start3A_95 : memref<8192xf32, #tpu.memory_space<hbm>>) target_semaphore(%arg34 : memref<!tpu.dma_semaphore, #tpu.memory_space<semaphore_mem>>)
    %dma_wait3A_96 = tpu.memref_slice %arg5[%add3A_74] : memref<4194304xf32, #tpu.memory_space<hbm>> -> memref<8192xf32, #tpu.memory_space<hbm>>
    %dma_wait3A_97 = tpu.memref_slice %arg5[%add3A_74] : memref<4194304xf32, #tpu.memory_space<hbm>> -> memref<8192xf32, #tpu.memory_space<hbm>>
    tpu.wait_dma2 semaphore(%arg33 : memref<!tpu.dma_semaphore, #tpu.memory_space<semaphore_mem>>) src(%arg15 : memref<8192xf32, #tpu.memory_space<vmem>>) dst(%dma_wait3A_97 : memref<8192xf32, #tpu.memory_space<hbm>>)
    %add3A_98 = arith.constant 65536 : i32
    %add3A_99 = arith.addi %mul3A_2, %add3A_98 : i32
    %dma_start3A_100 = tpu.memref_slice %arg2[%add3A_99] : memref<4194304xi32, #tpu.memory_space<hbm>> -> memref<8192xi32, #tpu.memory_space<hbm>>
    %dma_start3A_101 = tpu.memref_slice %arg2[%add3A_99] : memref<4194304xi32, #tpu.memory_space<hbm>> -> memref<8192xi32, #tpu.memory_space<hbm>>
    tpu.enqueue_dma source(%dma_start3A_101 : memref<8192xi32, #tpu.memory_space<hbm>>) target(%arg9 : memref<8192xi32, #tpu.memory_space<vmem>>) target_semaphore(%arg21 : memref<!tpu.dma_semaphore, #tpu.memory_space<semaphore_mem>>)
    %dma_start3A_102 = tpu.memref_slice %arg3[%add3A_99] : memref<4194304xf32, #tpu.memory_space<hbm>> -> memref<8192xf32, #tpu.memory_space<hbm>>
    %dma_start3A_103 = tpu.memref_slice %arg3[%add3A_99] : memref<4194304xf32, #tpu.memory_space<hbm>> -> memref<8192xf32, #tpu.memory_space<hbm>>
    tpu.enqueue_dma source(%dma_start3A_103 : memref<8192xf32, #tpu.memory_space<hbm>>) target(%arg15 : memref<8192xf32, #tpu.memory_space<vmem>>) target_semaphore(%arg27 : memref<!tpu.dma_semaphore, #tpu.memory_space<semaphore_mem>>)
    %dma_wait3A_104 = tpu.memref_slice %arg2[%add3A_27] : memref<4194304xi32, #tpu.memory_space<hbm>> -> memref<8192xi32, #tpu.memory_space<hbm>>
    %dma_wait3A_105 = tpu.memref_slice %arg2[%add3A_27] : memref<4194304xi32, #tpu.memory_space<hbm>> -> memref<8192xi32, #tpu.memory_space<hbm>>
    tpu.wait_dma2 semaphore(%arg23 : memref<!tpu.dma_semaphore, #tpu.memory_space<semaphore_mem>>) src(%dma_wait3A_105 : memref<8192xi32, #tpu.memory_space<hbm>>) dst(%arg11 : memref<8192xi32, #tpu.memory_space<vmem>>)
    %dma_wait3A_106 = tpu.memref_slice %arg3[%add3A_27] : memref<4194304xf32, #tpu.memory_space<hbm>> -> memref<8192xf32, #tpu.memory_space<hbm>>
    %dma_wait3A_107 = tpu.memref_slice %arg3[%add3A_27] : memref<4194304xf32, #tpu.memory_space<hbm>> -> memref<8192xf32, #tpu.memory_space<hbm>>
    tpu.wait_dma2 semaphore(%arg29 : memref<!tpu.dma_semaphore, #tpu.memory_space<semaphore_mem>>) src(%dma_wait3A_107 : memref<8192xf32, #tpu.memory_space<hbm>>) dst(%arg17 : memref<8192xf32, #tpu.memory_space<vmem>>)
    %parallel_loop3A_108 = arith.constant 0 : i32
    %parallel_loop3A_109 = arith.constant 512 : i32
    %parallel_loop3A_110 = arith.constant 1 : i32
    scf.for %parallel_loop3A_304 = %parallel_loop3A_108 to %parallel_loop3A_109 step %parallel_loop3A_110  : i32 {
      %parallel_loop3A_305 = arith.constant 16 : i32
      %parallel_loop3A_306 = arith.muli %parallel_loop3A_304, %parallel_loop3A_305 : i32
      %parallel_loop3A_307 = arith.index_cast %parallel_loop3A_306 : i32 to index
      %parallel_loop3A_308 = tpu.vector_load %arg11[%parallel_loop3A_307] {strides = array<i32>} : memref<8192xi32, #tpu.memory_space<vmem>>, vector<16xi32>,
      %parallel_loop3A_309 = tpu.vector_load_idx %arg6[%parallel_loop3A_308] : memref<64xf32, #tpu.memory_space<vmem>>[vector<16xi32>], vector<16xf32>,
      %parallel_loop3A_310 = arith.index_cast %parallel_loop3A_306 : i32 to index
      %parallel_loop3A_311 = tpu.vector_load %arg17[%parallel_loop3A_310] {strides = array<i32>} : memref<8192xf32, #tpu.memory_space<vmem>>, vector<16xf32>,
      tpu.vector_store %arg17[%parallel_loop3A_310], %parallel_loop3A_309 {add = true, strides = array<i32>} : memref<8192xf32, #tpu.memory_space<vmem>>, vector<16xf32>,
    } {sc.loop_unroll_factor = 8 : i64, sc.parallel_access}
    %add3A_111 = arith.constant 32768 : i32
    %add3A_112 = arith.addi %mul3A_2, %add3A_111 : i32
    %dma_start3A_113 = tpu.memref_slice %arg5[%add3A_112] : memref<4194304xf32, #tpu.memory_space<hbm>> -> memref<8192xf32, #tpu.memory_space<hbm>>
    %dma_start3A_114 = tpu.memref_slice %arg5[%add3A_112] : memref<4194304xf32, #tpu.memory_space<hbm>> -> memref<8192xf32, #tpu.memory_space<hbm>>
    tpu.enqueue_dma source(%arg17 : memref<8192xf32, #tpu.memory_space<vmem>>) target(%dma_start3A_114 : memref<8192xf32, #tpu.memory_space<hbm>>) target_semaphore(%arg35 : memref<!tpu.dma_semaphore, #tpu.memory_space<semaphore_mem>>)
    %dma_wait3A_115 = tpu.memref_slice %arg5[%add3A_93] : memref<4194304xf32, #tpu.memory_space<hbm>> -> memref<8192xf32, #tpu.memory_space<hbm>>
    %dma_wait3A_116 = tpu.memref_slice %arg5[%add3A_93] : memref<4194304xf32, #tpu.memory_space<hbm>> -> memref<8192xf32, #tpu.memory_space<hbm>>
    tpu.wait_dma2 semaphore(%arg34 : memref<!tpu.dma_semaphore, #tpu.memory_space<semaphore_mem>>) src(%arg16 : memref<8192xf32, #tpu.memory_space<vmem>>) dst(%dma_wait3A_116 : memref<8192xf32, #tpu.memory_space<hbm>>)
    %add3A_117 = arith.constant 73728 : i32
    %add3A_118 = arith.addi %mul3A_2, %add3A_117 : i32
    %dma_start3A_119 = tpu.memref_slice %arg2[%add3A_118] : memref<4194304xi32, #tpu.memory_space<hbm>> -> memref<8192xi32, #tpu.memory_space<hbm>>
    %dma_start3A_120 = tpu.memref_slice %arg2[%add3A_118] : memref<4194304xi32, #tpu.memory_space<hbm>> -> memref<8192xi32, #tpu.memory_space<hbm>>
    tpu.enqueue_dma source(%dma_start3A_120 : memref<8192xi32, #tpu.memory_space<hbm>>) target(%arg10 : memref<8192xi32, #tpu.memory_space<vmem>>) target_semaphore(%arg22 : memref<!tpu.dma_semaphore, #tpu.memory_space<semaphore_mem>>)
    %dma_start3A_121 = tpu.memref_slice %arg3[%add3A_118] : memref<4194304xf32, #tpu.memory_space<hbm>> -> memref<8192xf32, #tpu.memory_space<hbm>>
    %dma_start3A_122 = tpu.memref_slice %arg3[%add3A_118] : memref<4194304xf32, #tpu.memory_space<hbm>> -> memref<8192xf32, #tpu.memory_space<hbm>>
    tpu.enqueue_dma source(%dma_start3A_122 : memref<8192xf32, #tpu.memory_space<hbm>>) target(%arg16 : memref<8192xf32, #tpu.memory_space<vmem>>) target_semaphore(%arg28 : memref<!tpu.dma_semaphore, #tpu.memory_space<semaphore_mem>>)
    %dma_wait3A_123 = tpu.memref_slice %arg2[%add3A_42] : memref<4194304xi32, #tpu.memory_space<hbm>> -> memref<8192xi32, #tpu.memory_space<hbm>>
    %dma_wait3A_124 = tpu.memref_slice %arg2[%add3A_42] : memref<4194304xi32, #tpu.memory_space<hbm>> -> memref<8192xi32, #tpu.memory_space<hbm>>
    tpu.wait_dma2 semaphore(%arg24 : memref<!tpu.dma_semaphore, #tpu.memory_space<semaphore_mem>>) src(%dma_wait3A_124 : memref<8192xi32, #tpu.memory_space<hbm>>) dst(%arg12 : memref<8192xi32, #tpu.memory_space<vmem>>)
    %dma_wait3A_125 = tpu.memref_slice %arg3[%add3A_42] : memref<4194304xf32, #tpu.memory_space<hbm>> -> memref<8192xf32, #tpu.memory_space<hbm>>
    %dma_wait3A_126 = tpu.memref_slice %arg3[%add3A_42] : memref<4194304xf32, #tpu.memory_space<hbm>> -> memref<8192xf32, #tpu.memory_space<hbm>>
    tpu.wait_dma2 semaphore(%arg30 : memref<!tpu.dma_semaphore, #tpu.memory_space<semaphore_mem>>) src(%dma_wait3A_126 : memref<8192xf32, #tpu.memory_space<hbm>>) dst(%arg18 : memref<8192xf32, #tpu.memory_space<vmem>>)
    %parallel_loop3A_127 = arith.constant 0 : i32
    %parallel_loop3A_128 = arith.constant 512 : i32
    %parallel_loop3A_129 = arith.constant 1 : i32
    scf.for %parallel_loop3A_304 = %parallel_loop3A_127 to %parallel_loop3A_128 step %parallel_loop3A_129  : i32 {
      %parallel_loop3A_305 = arith.constant 16 : i32
      %parallel_loop3A_306 = arith.muli %parallel_loop3A_304, %parallel_loop3A_305 : i32
      %parallel_loop3A_307 = arith.index_cast %parallel_loop3A_306 : i32 to index
      %parallel_loop3A_308 = tpu.vector_load %arg12[%parallel_loop3A_307] {strides = array<i32>} : memref<8192xi32, #tpu.memory_space<vmem>>, vector<16xi32>,
      %parallel_loop3A_309 = tpu.vector_load_idx %arg6[%parallel_loop3A_308] : memref<64xf32, #tpu.memory_space<vmem>>[vector<16xi32>], vector<16xf32>,
      %parallel_loop3A_310 = arith.index_cast %parallel_loop3A_306 : i32 to index
      %parallel_loop3A_311 = tpu.vector_load %arg18[%parallel_loop3A_310] {strides = array<i32>} : memref<8192xf32, #tpu.memory_space<vmem>>, vector<16xf32>,
      tpu.vector_store %arg18[%parallel_loop3A_310], %parallel_loop3A_309 {add = true, strides = array<i32>} : memref<8192xf32, #tpu.memory_space<vmem>>, vector<16xf32>,
    } {sc.loop_unroll_factor = 8 : i64, sc.parallel_access}
    %add3A_130 = arith.constant 40960 : i32
    %add3A_131 = arith.addi %mul3A_2, %add3A_130 : i32
    %dma_start3A_132 = tpu.memref_slice %arg5[%add3A_131] : memref<4194304xf32, #tpu.memory_space<hbm>> -> memref<8192xf32, #tpu.memory_space<hbm>>
    %dma_start3A_133 = tpu.memref_slice %arg5[%add3A_131] : memref<4194304xf32, #tpu.memory_space<hbm>> -> memref<8192xf32, #tpu.memory_space<hbm>>
    tpu.enqueue_dma source(%arg18 : memref<8192xf32, #tpu.memory_space<vmem>>) target(%dma_start3A_133 : memref<8192xf32, #tpu.memory_space<hbm>>) target_semaphore(%arg36 : memref<!tpu.dma_semaphore, #tpu.memory_space<semaphore_mem>>)
    %dma_wait3A_134 = tpu.memref_slice %arg5[%add3A_112] : memref<4194304xf32, #tpu.memory_space<hbm>> -> memref<8192xf32, #tpu.memory_space<hbm>>
    %dma_wait3A_135 = tpu.memref_slice %arg5[%add3A_112] : memref<4194304xf32, #tpu.memory_space<hbm>> -> memref<8192xf32, #tpu.memory_space<hbm>>
    tpu.wait_dma2 semaphore(%arg35 : memref<!tpu.dma_semaphore, #tpu.memory_space<semaphore_mem>>) src(%arg17 : memref<8192xf32, #tpu.memory_space<vmem>>) dst(%dma_wait3A_135 : memref<8192xf32, #tpu.memory_space<hbm>>)
    %add3A_136 = arith.constant 81920 : i32
    %add3A_137 = arith.addi %mul3A_2, %add3A_136 : i32
    %dma_start3A_138 = tpu.memref_slice %arg2[%add3A_137] : memref<4194304xi32, #tpu.memory_space<hbm>> -> memref<8192xi32, #tpu.memory_space<hbm>>
    %dma_start3A_139 = tpu.memref_slice %arg2[%add3A_137] : memref<4194304xi32, #tpu.memory_space<hbm>> -> memref<8192xi32, #tpu.memory_space<hbm>>
    tpu.enqueue_dma source(%dma_start3A_139 : memref<8192xi32, #tpu.memory_space<hbm>>) target(%arg11 : memref<8192xi32, #tpu.memory_space<vmem>>) target_semaphore(%arg23 : memref<!tpu.dma_semaphore, #tpu.memory_space<semaphore_mem>>)
    %dma_start3A_140 = tpu.memref_slice %arg3[%add3A_137] : memref<4194304xf32, #tpu.memory_space<hbm>> -> memref<8192xf32, #tpu.memory_space<hbm>>
    %dma_start3A_141 = tpu.memref_slice %arg3[%add3A_137] : memref<4194304xf32, #tpu.memory_space<hbm>> -> memref<8192xf32, #tpu.memory_space<hbm>>
    tpu.enqueue_dma source(%dma_start3A_141 : memref<8192xf32, #tpu.memory_space<hbm>>) target(%arg17 : memref<8192xf32, #tpu.memory_space<vmem>>) target_semaphore(%arg29 : memref<!tpu.dma_semaphore, #tpu.memory_space<semaphore_mem>>)
    %dma_wait3A_142 = tpu.memref_slice %arg2[%add3A_61] : memref<4194304xi32, #tpu.memory_space<hbm>> -> memref<8192xi32, #tpu.memory_space<hbm>>
    %dma_wait3A_143 = tpu.memref_slice %arg2[%add3A_61] : memref<4194304xi32, #tpu.memory_space<hbm>> -> memref<8192xi32, #tpu.memory_space<hbm>>
    tpu.wait_dma2 semaphore(%arg19 : memref<!tpu.dma_semaphore, #tpu.memory_space<semaphore_mem>>) src(%dma_wait3A_143 : memref<8192xi32, #tpu.memory_space<hbm>>) dst(%arg7 : memref<8192xi32, #tpu.memory_space<vmem>>)
    %dma_wait3A_144 = tpu.memref_slice %arg3[%add3A_61] : memref<4194304xf32, #tpu.memory_space<hbm>> -> memref<8192xf32, #tpu.memory_space<hbm>>
    %dma_wait3A_145 = tpu.memref_slice %arg3[%add3A_61] : memref<4194304xf32, #tpu.memory_space<hbm>> -> memref<8192xf32, #tpu.memory_space<hbm>>
    tpu.wait_dma2 semaphore(%arg25 : memref<!tpu.dma_semaphore, #tpu.memory_space<semaphore_mem>>) src(%dma_wait3A_145 : memref<8192xf32, #tpu.memory_space<hbm>>) dst(%arg13 : memref<8192xf32, #tpu.memory_space<vmem>>)
    %parallel_loop3A_146 = arith.constant 0 : i32
    %parallel_loop3A_147 = arith.constant 512 : i32
    %parallel_loop3A_148 = arith.constant 1 : i32
    scf.for %parallel_loop3A_304 = %parallel_loop3A_146 to %parallel_loop3A_147 step %parallel_loop3A_148  : i32 {
      %parallel_loop3A_305 = arith.constant 16 : i32
      %parallel_loop3A_306 = arith.muli %parallel_loop3A_304, %parallel_loop3A_305 : i32
      %parallel_loop3A_307 = arith.index_cast %parallel_loop3A_306 : i32 to index
      %parallel_loop3A_308 = tpu.vector_load %arg7[%parallel_loop3A_307] {strides = array<i32>} : memref<8192xi32, #tpu.memory_space<vmem>>, vector<16xi32>,
      %parallel_loop3A_309 = tpu.vector_load_idx %arg6[%parallel_loop3A_308] : memref<64xf32, #tpu.memory_space<vmem>>[vector<16xi32>], vector<16xf32>,
      %parallel_loop3A_310 = arith.index_cast %parallel_loop3A_306 : i32 to index
      %parallel_loop3A_311 = tpu.vector_load %arg13[%parallel_loop3A_310] {strides = array<i32>} : memref<8192xf32, #tpu.memory_space<vmem>>, vector<16xf32>,
      tpu.vector_store %arg13[%parallel_loop3A_310], %parallel_loop3A_309 {add = true, strides = array<i32>} : memref<8192xf32, #tpu.memory_space<vmem>>, vector<16xf32>,
    } {sc.loop_unroll_factor = 8 : i64, sc.parallel_access}
    %add3A_149 = arith.constant 49152 : i32
    %add3A_150 = arith.addi %mul3A_2, %add3A_149 : i32
    %dma_start3A_151 = tpu.memref_slice %arg5[%add3A_150] : memref<4194304xf32, #tpu.memory_space<hbm>> -> memref<8192xf32, #tpu.memory_space<hbm>>
    %dma_start3A_152 = tpu.memref_slice %arg5[%add3A_150] : memref<4194304xf32, #tpu.memory_space<hbm>> -> memref<8192xf32, #tpu.memory_space<hbm>>
    tpu.enqueue_dma source(%arg13 : memref<8192xf32, #tpu.memory_space<vmem>>) target(%dma_start3A_152 : memref<8192xf32, #tpu.memory_space<hbm>>) target_semaphore(%arg31 : memref<!tpu.dma_semaphore, #tpu.memory_space<semaphore_mem>>)
    %dma_wait3A_153 = tpu.memref_slice %arg5[%add3A_131] : memref<4194304xf32, #tpu.memory_space<hbm>> -> memref<8192xf32, #tpu.memory_space<hbm>>
    %dma_wait3A_154 = tpu.memref_slice %arg5[%add3A_131] : memref<4194304xf32, #tpu.memory_space<hbm>> -> memref<8192xf32, #tpu.memory_space<hbm>>
    tpu.wait_dma2 semaphore(%arg36 : memref<!tpu.dma_semaphore, #tpu.memory_space<semaphore_mem>>) src(%arg18 : memref<8192xf32, #tpu.memory_space<vmem>>) dst(%dma_wait3A_154 : memref<8192xf32, #tpu.memory_space<hbm>>)
    %add3A_155 = arith.constant 90112 : i32
    %add3A_156 = arith.addi %mul3A_2, %add3A_155 : i32
    %dma_start3A_157 = tpu.memref_slice %arg2[%add3A_156] : memref<4194304xi32, #tpu.memory_space<hbm>> -> memref<8192xi32, #tpu.memory_space<hbm>>
    %dma_start3A_158 = tpu.memref_slice %arg2[%add3A_156] : memref<4194304xi32, #tpu.memory_space<hbm>> -> memref<8192xi32, #tpu.memory_space<hbm>>
    tpu.enqueue_dma source(%dma_start3A_158 : memref<8192xi32, #tpu.memory_space<hbm>>) target(%arg12 : memref<8192xi32, #tpu.memory_space<vmem>>) target_semaphore(%arg24 : memref<!tpu.dma_semaphore, #tpu.memory_space<semaphore_mem>>)
    %dma_start3A_159 = tpu.memref_slice %arg3[%add3A_156] : memref<4194304xf32, #tpu.memory_space<hbm>> -> memref<8192xf32, #tpu.memory_space<hbm>>
    %dma_start3A_160 = tpu.memref_slice %arg3[%add3A_156] : memref<4194304xf32, #tpu.memory_space<hbm>> -> memref<8192xf32, #tpu.memory_space<hbm>>
    tpu.enqueue_dma source(%dma_start3A_160 : memref<8192xf32, #tpu.memory_space<hbm>>) target(%arg18 : memref<8192xf32, #tpu.memory_space<vmem>>) target_semaphore(%arg30 : memref<!tpu.dma_semaphore, #tpu.memory_space<semaphore_mem>>)
    %dma_wait3A_161 = tpu.memref_slice %arg2[%add3A_80] : memref<4194304xi32, #tpu.memory_space<hbm>> -> memref<8192xi32, #tpu.memory_space<hbm>>
    %dma_wait3A_162 = tpu.memref_slice %arg2[%add3A_80] : memref<4194304xi32, #tpu.memory_space<hbm>> -> memref<8192xi32, #tpu.memory_space<hbm>>
    tpu.wait_dma2 semaphore(%arg20 : memref<!tpu.dma_semaphore, #tpu.memory_space<semaphore_mem>>) src(%dma_wait3A_162 : memref<8192xi32, #tpu.memory_space<hbm>>) dst(%arg8 : memref<8192xi32, #tpu.memory_space<vmem>>)
    %dma_wait3A_163 = tpu.memref_slice %arg3[%add3A_80] : memref<4194304xf32, #tpu.memory_space<hbm>> -> memref<8192xf32, #tpu.memory_space<hbm>>
    %dma_wait3A_164 = tpu.memref_slice %arg3[%add3A_80] : memref<4194304xf32, #tpu.memory_space<hbm>> -> memref<8192xf32, #tpu.memory_space<hbm>>
    tpu.wait_dma2 semaphore(%arg26 : memref<!tpu.dma_semaphore, #tpu.memory_space<semaphore_mem>>) src(%dma_wait3A_164 : memref<8192xf32, #tpu.memory_space<hbm>>) dst(%arg14 : memref<8192xf32, #tpu.memory_space<vmem>>)
    %parallel_loop3A_165 = arith.constant 0 : i32
    %parallel_loop3A_166 = arith.constant 512 : i32
    %parallel_loop3A_167 = arith.constant 1 : i32
    scf.for %parallel_loop3A_304 = %parallel_loop3A_165 to %parallel_loop3A_166 step %parallel_loop3A_167  : i32 {
      %parallel_loop3A_305 = arith.constant 16 : i32
      %parallel_loop3A_306 = arith.muli %parallel_loop3A_304, %parallel_loop3A_305 : i32
      %parallel_loop3A_307 = arith.index_cast %parallel_loop3A_306 : i32 to index
      %parallel_loop3A_308 = tpu.vector_load %arg8[%parallel_loop3A_307] {strides = array<i32>} : memref<8192xi32, #tpu.memory_space<vmem>>, vector<16xi32>,
      %parallel_loop3A_309 = tpu.vector_load_idx %arg6[%parallel_loop3A_308] : memref<64xf32, #tpu.memory_space<vmem>>[vector<16xi32>], vector<16xf32>,
      %parallel_loop3A_310 = arith.index_cast %parallel_loop3A_306 : i32 to index
      %parallel_loop3A_311 = tpu.vector_load %arg14[%parallel_loop3A_310] {strides = array<i32>} : memref<8192xf32, #tpu.memory_space<vmem>>, vector<16xf32>,
      tpu.vector_store %arg14[%parallel_loop3A_310], %parallel_loop3A_309 {add = true, strides = array<i32>} : memref<8192xf32, #tpu.memory_space<vmem>>, vector<16xf32>,
    } {sc.loop_unroll_factor = 8 : i64, sc.parallel_access}
    %add3A_168 = arith.constant 57344 : i32
    %add3A_169 = arith.addi %mul3A_2, %add3A_168 : i32
    %dma_start3A_170 = tpu.memref_slice %arg5[%add3A_169] : memref<4194304xf32, #tpu.memory_space<hbm>> -> memref<8192xf32, #tpu.memory_space<hbm>>
    %dma_start3A_171 = tpu.memref_slice %arg5[%add3A_169] : memref<4194304xf32, #tpu.memory_space<hbm>> -> memref<8192xf32, #tpu.memory_space<hbm>>
    tpu.enqueue_dma source(%arg14 : memref<8192xf32, #tpu.memory_space<vmem>>) target(%dma_start3A_171 : memref<8192xf32, #tpu.memory_space<hbm>>) target_semaphore(%arg32 : memref<!tpu.dma_semaphore, #tpu.memory_space<semaphore_mem>>)
    %dma_wait3A_172 = tpu.memref_slice %arg5[%add3A_150] : memref<4194304xf32, #tpu.memory_space<hbm>> -> memref<8192xf32, #tpu.memory_space<hbm>>
    %dma_wait3A_173 = tpu.memref_slice %arg5[%add3A_150] : memref<4194304xf32, #tpu.memory_space<hbm>> -> memref<8192xf32, #tpu.memory_space<hbm>>
    tpu.wait_dma2 semaphore(%arg31 : memref<!tpu.dma_semaphore, #tpu.memory_space<semaphore_mem>>) src(%arg13 : memref<8192xf32, #tpu.memory_space<vmem>>) dst(%dma_wait3A_173 : memref<8192xf32, #tpu.memory_space<hbm>>)
    %add3A_174 = arith.constant 98304 : i32
    %add3A_175 = arith.addi %mul3A_2, %add3A_174 : i32
    %dma_start3A_176 = tpu.memref_slice %arg2[%add3A_175] : memref<4194304xi32, #tpu.memory_space<hbm>> -> memref<8192xi32, #tpu.memory_space<hbm>>
    %dma_start3A_177 = tpu.memref_slice %arg2[%add3A_175] : memref<4194304xi32, #tpu.memory_space<hbm>> -> memref<8192xi32, #tpu.memory_space<hbm>>
    tpu.enqueue_dma source(%dma_start3A_177 : memref<8192xi32, #tpu.memory_space<hbm>>) target(%arg7 : memref<8192xi32, #tpu.memory_space<vmem>>) target_semaphore(%arg19 : memref<!tpu.dma_semaphore, #tpu.memory_space<semaphore_mem>>)
    %dma_start3A_178 = tpu.memref_slice %arg3[%add3A_175] : memref<4194304xf32, #tpu.memory_space<hbm>> -> memref<8192xf32, #tpu.memory_space<hbm>>
    %dma_start3A_179 = tpu.memref_slice %arg3[%add3A_175] : memref<4194304xf32, #tpu.memory_space<hbm>> -> memref<8192xf32, #tpu.memory_space<hbm>>
    tpu.enqueue_dma source(%dma_start3A_179 : memref<8192xf32, #tpu.memory_space<hbm>>) target(%arg13 : memref<8192xf32, #tpu.memory_space<vmem>>) target_semaphore(%arg25 : memref<!tpu.dma_semaphore, #tpu.memory_space<semaphore_mem>>)
    %dma_wait3A_180 = tpu.memref_slice %arg2[%add3A_99] : memref<4194304xi32, #tpu.memory_space<hbm>> -> memref<8192xi32, #tpu.memory_space<hbm>>
    %dma_wait3A_181 = tpu.memref_slice %arg2[%add3A_99] : memref<4194304xi32, #tpu.memory_space<hbm>> -> memref<8192xi32, #tpu.memory_space<hbm>>
    tpu.wait_dma2 semaphore(%arg21 : memref<!tpu.dma_semaphore, #tpu.memory_space<semaphore_mem>>) src(%dma_wait3A_181 : memref<8192xi32, #tpu.memory_space<hbm>>) dst(%arg9 : memref<8192xi32, #tpu.memory_space<vmem>>)
    %dma_wait3A_182 = tpu.memref_slice %arg3[%add3A_99] : memref<4194304xf32, #tpu.memory_space<hbm>> -> memref<8192xf32, #tpu.memory_space<hbm>>
    %dma_wait3A_183 = tpu.memref_slice %arg3[%add3A_99] : memref<4194304xf32, #tpu.memory_space<hbm>> -> memref<8192xf32, #tpu.memory_space<hbm>>
    tpu.wait_dma2 semaphore(%arg27 : memref<!tpu.dma_semaphore, #tpu.memory_space<semaphore_mem>>) src(%dma_wait3A_183 : memref<8192xf32, #tpu.memory_space<hbm>>) dst(%arg15 : memref<8192xf32, #tpu.memory_space<vmem>>)
    %parallel_loop3A_184 = arith.constant 0 : i32
    %parallel_loop3A_185 = arith.constant 512 : i32
    %parallel_loop3A_186 = arith.constant 1 : i32
    scf.for %parallel_loop3A_304 = %parallel_loop3A_184 to %parallel_loop3A_185 step %parallel_loop3A_186  : i32 {
      %parallel_loop3A_305 = arith.constant 16 : i32
      %parallel_loop3A_306 = arith.muli %parallel_loop3A_304, %parallel_loop3A_305 : i32
      %parallel_loop3A_307 = arith.index_cast %parallel_loop3A_306 : i32 to index
      %parallel_loop3A_308 = tpu.vector_load %arg9[%parallel_loop3A_307] {strides = array<i32>} : memref<8192xi32, #tpu.memory_space<vmem>>, vector<16xi32>,
      %parallel_loop3A_309 = tpu.vector_load_idx %arg6[%parallel_loop3A_308] : memref<64xf32, #tpu.memory_space<vmem>>[vector<16xi32>], vector<16xf32>,
      %parallel_loop3A_310 = arith.index_cast %parallel_loop3A_306 : i32 to index
      %parallel_loop3A_311 = tpu.vector_load %arg15[%parallel_loop3A_310] {strides = array<i32>} : memref<8192xf32, #tpu.memory_space<vmem>>, vector<16xf32>,
      tpu.vector_store %arg15[%parallel_loop3A_310], %parallel_loop3A_309 {add = true, strides = array<i32>} : memref<8192xf32, #tpu.memory_space<vmem>>, vector<16xf32>,
    } {sc.loop_unroll_factor = 8 : i64, sc.parallel_access}
    %add3A_187 = arith.constant 65536 : i32
    %add3A_188 = arith.addi %mul3A_2, %add3A_187 : i32
    %dma_start3A_189 = tpu.memref_slice %arg5[%add3A_188] : memref<4194304xf32, #tpu.memory_space<hbm>> -> memref<8192xf32, #tpu.memory_space<hbm>>
    %dma_start3A_190 = tpu.memref_slice %arg5[%add3A_188] : memref<4194304xf32, #tpu.memory_space<hbm>> -> memref<8192xf32, #tpu.memory_space<hbm>>
    tpu.enqueue_dma source(%arg15 : memref<8192xf32, #tpu.memory_space<vmem>>) target(%dma_start3A_190 : memref<8192xf32, #tpu.memory_space<hbm>>) target_semaphore(%arg33 : memref<!tpu.dma_semaphore, #tpu.memory_space<semaphore_mem>>)
    %dma_wait3A_191 = tpu.memref_slice %arg5[%add3A_169] : memref<4194304xf32, #tpu.memory_space<hbm>> -> memref<8192xf32, #tpu.memory_space<hbm>>
    %dma_wait3A_192 = tpu.memref_slice %arg5[%add3A_169] : memref<4194304xf32, #tpu.memory_space<hbm>> -> memref<8192xf32, #tpu.memory_space<hbm>>
    tpu.wait_dma2 semaphore(%arg32 : memref<!tpu.dma_semaphore, #tpu.memory_space<semaphore_mem>>) src(%arg14 : memref<8192xf32, #tpu.memory_space<vmem>>) dst(%dma_wait3A_192 : memref<8192xf32, #tpu.memory_space<hbm>>)
    %add3A_193 = arith.constant 106496 : i32
    %add3A_194 = arith.addi %mul3A_2, %add3A_193 : i32
    %dma_start3A_195 = tpu.memref_slice %arg2[%add3A_194] : memref<4194304xi32, #tpu.memory_space<hbm>> -> memref<8192xi32, #tpu.memory_space<hbm>>
    %dma_start3A_196 = tpu.memref_slice %arg2[%add3A_194] : memref<4194304xi32, #tpu.memory_space<hbm>> -> memref<8192xi32, #tpu.memory_space<hbm>>
    tpu.enqueue_dma source(%dma_start3A_196 : memref<8192xi32, #tpu.memory_space<hbm>>) target(%arg8 : memref<8192xi32, #tpu.memory_space<vmem>>) target_semaphore(%arg20 : memref<!tpu.dma_semaphore, #tpu.memory_space<semaphore_mem>>)
    %dma_start3A_197 = tpu.memref_slice %arg3[%add3A_194] : memref<4194304xf32, #tpu.memory_space<hbm>> -> memref<8192xf32, #tpu.memory_space<hbm>>
    %dma_start3A_198 = tpu.memref_slice %arg3[%add3A_194] : memref<4194304xf32, #tpu.memory_space<hbm>> -> memref<8192xf32, #tpu.memory_space<hbm>>
    tpu.enqueue_dma source(%dma_start3A_198 : memref<8192xf32, #tpu.memory_space<hbm>>) target(%arg14 : memref<8192xf32, #tpu.memory_space<vmem>>) target_semaphore(%arg26 : memref<!tpu.dma_semaphore, #tpu.memory_space<semaphore_mem>>)
    %dma_wait3A_199 = tpu.memref_slice %arg2[%add3A_118] : memref<4194304xi32, #tpu.memory_space<hbm>> -> memref<8192xi32, #tpu.memory_space<hbm>>
    %dma_wait3A_200 = tpu.memref_slice %arg2[%add3A_118] : memref<4194304xi32, #tpu.memory_space<hbm>> -> memref<8192xi32, #tpu.memory_space<hbm>>
    tpu.wait_dma2 semaphore(%arg22 : memref<!tpu.dma_semaphore, #tpu.memory_space<semaphore_mem>>) src(%dma_wait3A_200 : memref<8192xi32, #tpu.memory_space<hbm>>) dst(%arg10 : memref<8192xi32, #tpu.memory_space<vmem>>)
    %dma_wait3A_201 = tpu.memref_slice %arg3[%add3A_118] : memref<4194304xf32, #tpu.memory_space<hbm>> -> memref<8192xf32, #tpu.memory_space<hbm>>
    %dma_wait3A_202 = tpu.memref_slice %arg3[%add3A_118] : memref<4194304xf32, #tpu.memory_space<hbm>> -> memref<8192xf32, #tpu.memory_space<hbm>>
    tpu.wait_dma2 semaphore(%arg28 : memref<!tpu.dma_semaphore, #tpu.memory_space<semaphore_mem>>) src(%dma_wait3A_202 : memref<8192xf32, #tpu.memory_space<hbm>>) dst(%arg16 : memref<8192xf32, #tpu.memory_space<vmem>>)
    %parallel_loop3A_203 = arith.constant 0 : i32
    %parallel_loop3A_204 = arith.constant 512 : i32
    %parallel_loop3A_205 = arith.constant 1 : i32
    scf.for %parallel_loop3A_304 = %parallel_loop3A_203 to %parallel_loop3A_204 step %parallel_loop3A_205  : i32 {
      %parallel_loop3A_305 = arith.constant 16 : i32
      %parallel_loop3A_306 = arith.muli %parallel_loop3A_304, %parallel_loop3A_305 : i32
      %parallel_loop3A_307 = arith.index_cast %parallel_loop3A_306 : i32 to index
      %parallel_loop3A_308 = tpu.vector_load %arg10[%parallel_loop3A_307] {strides = array<i32>} : memref<8192xi32, #tpu.memory_space<vmem>>, vector<16xi32>,
      %parallel_loop3A_309 = tpu.vector_load_idx %arg6[%parallel_loop3A_308] : memref<64xf32, #tpu.memory_space<vmem>>[vector<16xi32>], vector<16xf32>,
      %parallel_loop3A_310 = arith.index_cast %parallel_loop3A_306 : i32 to index
      %parallel_loop3A_311 = tpu.vector_load %arg16[%parallel_loop3A_310] {strides = array<i32>} : memref<8192xf32, #tpu.memory_space<vmem>>, vector<16xf32>,
      tpu.vector_store %arg16[%parallel_loop3A_310], %parallel_loop3A_309 {add = true, strides = array<i32>} : memref<8192xf32, #tpu.memory_space<vmem>>, vector<16xf32>,
    } {sc.loop_unroll_factor = 8 : i64, sc.parallel_access}
    %add3A_206 = arith.constant 73728 : i32
    %add3A_207 = arith.addi %mul3A_2, %add3A_206 : i32
    %dma_start3A_208 = tpu.memref_slice %arg5[%add3A_207] : memref<4194304xf32, #tpu.memory_space<hbm>> -> memref<8192xf32, #tpu.memory_space<hbm>>
    %dma_start3A_209 = tpu.memref_slice %arg5[%add3A_207] : memref<4194304xf32, #tpu.memory_space<hbm>> -> memref<8192xf32, #tpu.memory_space<hbm>>
    tpu.enqueue_dma source(%arg16 : memref<8192xf32, #tpu.memory_space<vmem>>) target(%dma_start3A_209 : memref<8192xf32, #tpu.memory_space<hbm>>) target_semaphore(%arg34 : memref<!tpu.dma_semaphore, #tpu.memory_space<semaphore_mem>>)
    %dma_wait3A_210 = tpu.memref_slice %arg5[%add3A_188] : memref<4194304xf32, #tpu.memory_space<hbm>> -> memref<8192xf32, #tpu.memory_space<hbm>>
    %dma_wait3A_211 = tpu.memref_slice %arg5[%add3A_188] : memref<4194304xf32, #tpu.memory_space<hbm>> -> memref<8192xf32, #tpu.memory_space<hbm>>
    tpu.wait_dma2 semaphore(%arg33 : memref<!tpu.dma_semaphore, #tpu.memory_space<semaphore_mem>>) src(%arg15 : memref<8192xf32, #tpu.memory_space<vmem>>) dst(%dma_wait3A_211 : memref<8192xf32, #tpu.memory_space<hbm>>)
    %add3A_212 = arith.constant 114688 : i32
    %add3A_213 = arith.addi %mul3A_2, %add3A_212 : i32
    %dma_start3A_214 = tpu.memref_slice %arg2[%add3A_213] : memref<4194304xi32, #tpu.memory_space<hbm>> -> memref<8192xi32, #tpu.memory_space<hbm>>
    %dma_start3A_215 = tpu.memref_slice %arg2[%add3A_213] : memref<4194304xi32, #tpu.memory_space<hbm>> -> memref<8192xi32, #tpu.memory_space<hbm>>
    tpu.enqueue_dma source(%dma_start3A_215 : memref<8192xi32, #tpu.memory_space<hbm>>) target(%arg9 : memref<8192xi32, #tpu.memory_space<vmem>>) target_semaphore(%arg21 : memref<!tpu.dma_semaphore, #tpu.memory_space<semaphore_mem>>)
    %dma_start3A_216 = tpu.memref_slice %arg3[%add3A_213] : memref<4194304xf32, #tpu.memory_space<hbm>> -> memref<8192xf32, #tpu.memory_space<hbm>>
    %dma_start3A_217 = tpu.memref_slice %arg3[%add3A_213] : memref<4194304xf32, #tpu.memory_space<hbm>> -> memref<8192xf32, #tpu.memory_space<hbm>>
    tpu.enqueue_dma source(%dma_start3A_217 : memref<8192xf32, #tpu.memory_space<hbm>>) target(%arg15 : memref<8192xf32, #tpu.memory_space<vmem>>) target_semaphore(%arg27 : memref<!tpu.dma_semaphore, #tpu.memory_space<semaphore_mem>>)
    %dma_wait3A_218 = tpu.memref_slice %arg2[%add3A_137] : memref<4194304xi32, #tpu.memory_space<hbm>> -> memref<8192xi32, #tpu.memory_space<hbm>>
    %dma_wait3A_219 = tpu.memref_slice %arg2[%add3A_137] : memref<4194304xi32, #tpu.memory_space<hbm>> -> memref<8192xi32, #tpu.memory_space<hbm>>
    tpu.wait_dma2 semaphore(%arg23 : memref<!tpu.dma_semaphore, #tpu.memory_space<semaphore_mem>>) src(%dma_wait3A_219 : memref<8192xi32, #tpu.memory_space<hbm>>) dst(%arg11 : memref<8192xi32, #tpu.memory_space<vmem>>)
    %dma_wait3A_220 = tpu.memref_slice %arg3[%add3A_137] : memref<4194304xf32, #tpu.memory_space<hbm>> -> memref<8192xf32, #tpu.memory_space<hbm>>
    %dma_wait3A_221 = tpu.memref_slice %arg3[%add3A_137] : memref<4194304xf32, #tpu.memory_space<hbm>> -> memref<8192xf32, #tpu.memory_space<hbm>>
    tpu.wait_dma2 semaphore(%arg29 : memref<!tpu.dma_semaphore, #tpu.memory_space<semaphore_mem>>) src(%dma_wait3A_221 : memref<8192xf32, #tpu.memory_space<hbm>>) dst(%arg17 : memref<8192xf32, #tpu.memory_space<vmem>>)
    %parallel_loop3A_222 = arith.constant 0 : i32
    %parallel_loop3A_223 = arith.constant 512 : i32
    %parallel_loop3A_224 = arith.constant 1 : i32
    scf.for %parallel_loop3A_304 = %parallel_loop3A_222 to %parallel_loop3A_223 step %parallel_loop3A_224  : i32 {
      %parallel_loop3A_305 = arith.constant 16 : i32
      %parallel_loop3A_306 = arith.muli %parallel_loop3A_304, %parallel_loop3A_305 : i32
      %parallel_loop3A_307 = arith.index_cast %parallel_loop3A_306 : i32 to index
      %parallel_loop3A_308 = tpu.vector_load %arg11[%parallel_loop3A_307] {strides = array<i32>} : memref<8192xi32, #tpu.memory_space<vmem>>, vector<16xi32>,
      %parallel_loop3A_309 = tpu.vector_load_idx %arg6[%parallel_loop3A_308] : memref<64xf32, #tpu.memory_space<vmem>>[vector<16xi32>], vector<16xf32>,
      %parallel_loop3A_310 = arith.index_cast %parallel_loop3A_306 : i32 to index
      %parallel_loop3A_311 = tpu.vector_load %arg17[%parallel_loop3A_310] {strides = array<i32>} : memref<8192xf32, #tpu.memory_space<vmem>>, vector<16xf32>,
      tpu.vector_store %arg17[%parallel_loop3A_310], %parallel_loop3A_309 {add = true, strides = array<i32>} : memref<8192xf32, #tpu.memory_space<vmem>>, vector<16xf32>,
    } {sc.loop_unroll_factor = 8 : i64, sc.parallel_access}
    %add3A_225 = arith.constant 81920 : i32
    %add3A_226 = arith.addi %mul3A_2, %add3A_225 : i32
    %dma_start3A_227 = tpu.memref_slice %arg5[%add3A_226] : memref<4194304xf32, #tpu.memory_space<hbm>> -> memref<8192xf32, #tpu.memory_space<hbm>>
    %dma_start3A_228 = tpu.memref_slice %arg5[%add3A_226] : memref<4194304xf32, #tpu.memory_space<hbm>> -> memref<8192xf32, #tpu.memory_space<hbm>>
    tpu.enqueue_dma source(%arg17 : memref<8192xf32, #tpu.memory_space<vmem>>) target(%dma_start3A_228 : memref<8192xf32, #tpu.memory_space<hbm>>) target_semaphore(%arg35 : memref<!tpu.dma_semaphore, #tpu.memory_space<semaphore_mem>>)
    %dma_wait3A_229 = tpu.memref_slice %arg5[%add3A_207] : memref<4194304xf32, #tpu.memory_space<hbm>> -> memref<8192xf32, #tpu.memory_space<hbm>>
    %dma_wait3A_230 = tpu.memref_slice %arg5[%add3A_207] : memref<4194304xf32, #tpu.memory_space<hbm>> -> memref<8192xf32, #tpu.memory_space<hbm>>
    tpu.wait_dma2 semaphore(%arg34 : memref<!tpu.dma_semaphore, #tpu.memory_space<semaphore_mem>>) src(%arg16 : memref<8192xf32, #tpu.memory_space<vmem>>) dst(%dma_wait3A_230 : memref<8192xf32, #tpu.memory_space<hbm>>)
    %add3A_231 = arith.constant 122880 : i32
    %add3A_232 = arith.addi %mul3A_2, %add3A_231 : i32
    %dma_start3A_233 = tpu.memref_slice %arg2[%add3A_232] : memref<4194304xi32, #tpu.memory_space<hbm>> -> memref<8192xi32, #tpu.memory_space<hbm>>
    %dma_start3A_234 = tpu.memref_slice %arg2[%add3A_232] : memref<4194304xi32, #tpu.memory_space<hbm>> -> memref<8192xi32, #tpu.memory_space<hbm>>
    tpu.enqueue_dma source(%dma_start3A_234 : memref<8192xi32, #tpu.memory_space<hbm>>) target(%arg10 : memref<8192xi32, #tpu.memory_space<vmem>>) target_semaphore(%arg22 : memref<!tpu.dma_semaphore, #tpu.memory_space<semaphore_mem>>)
    %dma_start3A_235 = tpu.memref_slice %arg3[%add3A_232] : memref<4194304xf32, #tpu.memory_space<hbm>> -> memref<8192xf32, #tpu.memory_space<hbm>>
    %dma_start3A_236 = tpu.memref_slice %arg3[%add3A_232] : memref<4194304xf32, #tpu.memory_space<hbm>> -> memref<8192xf32, #tpu.memory_space<hbm>>
    tpu.enqueue_dma source(%dma_start3A_236 : memref<8192xf32, #tpu.memory_space<hbm>>) target(%arg16 : memref<8192xf32, #tpu.memory_space<vmem>>) target_semaphore(%arg28 : memref<!tpu.dma_semaphore, #tpu.memory_space<semaphore_mem>>)
    %dma_wait3A_237 = tpu.memref_slice %arg2[%add3A_156] : memref<4194304xi32, #tpu.memory_space<hbm>> -> memref<8192xi32, #tpu.memory_space<hbm>>
    %dma_wait3A_238 = tpu.memref_slice %arg2[%add3A_156] : memref<4194304xi32, #tpu.memory_space<hbm>> -> memref<8192xi32, #tpu.memory_space<hbm>>
    tpu.wait_dma2 semaphore(%arg24 : memref<!tpu.dma_semaphore, #tpu.memory_space<semaphore_mem>>) src(%dma_wait3A_238 : memref<8192xi32, #tpu.memory_space<hbm>>) dst(%arg12 : memref<8192xi32, #tpu.memory_space<vmem>>)
    %dma_wait3A_239 = tpu.memref_slice %arg3[%add3A_156] : memref<4194304xf32, #tpu.memory_space<hbm>> -> memref<8192xf32, #tpu.memory_space<hbm>>
    %dma_wait3A_240 = tpu.memref_slice %arg3[%add3A_156] : memref<4194304xf32, #tpu.memory_space<hbm>> -> memref<8192xf32, #tpu.memory_space<hbm>>
    tpu.wait_dma2 semaphore(%arg30 : memref<!tpu.dma_semaphore, #tpu.memory_space<semaphore_mem>>) src(%dma_wait3A_240 : memref<8192xf32, #tpu.memory_space<hbm>>) dst(%arg18 : memref<8192xf32, #tpu.memory_space<vmem>>)
    %parallel_loop3A_241 = arith.constant 0 : i32
    %parallel_loop3A_242 = arith.constant 512 : i32
    %parallel_loop3A_243 = arith.constant 1 : i32
    scf.for %parallel_loop3A_304 = %parallel_loop3A_241 to %parallel_loop3A_242 step %parallel_loop3A_243  : i32 {
      %parallel_loop3A_305 = arith.constant 16 : i32
      %parallel_loop3A_306 = arith.muli %parallel_loop3A_304, %parallel_loop3A_305 : i32
      %parallel_loop3A_307 = arith.index_cast %parallel_loop3A_306 : i32 to index
      %parallel_loop3A_308 = tpu.vector_load %arg12[%parallel_loop3A_307] {strides = array<i32>} : memref<8192xi32, #tpu.memory_space<vmem>>, vector<16xi32>,
      %parallel_loop3A_309 = tpu.vector_load_idx %arg6[%parallel_loop3A_308] : memref<64xf32, #tpu.memory_space<vmem>>[vector<16xi32>], vector<16xf32>,
      %parallel_loop3A_310 = arith.index_cast %parallel_loop3A_306 : i32 to index
      %parallel_loop3A_311 = tpu.vector_load %arg18[%parallel_loop3A_310] {strides = array<i32>} : memref<8192xf32, #tpu.memory_space<vmem>>, vector<16xf32>,
      tpu.vector_store %arg18[%parallel_loop3A_310], %parallel_loop3A_309 {add = true, strides = array<i32>} : memref<8192xf32, #tpu.memory_space<vmem>>, vector<16xf32>,
    } {sc.loop_unroll_factor = 8 : i64, sc.parallel_access}
    %add3A_244 = arith.constant 90112 : i32
    %add3A_245 = arith.addi %mul3A_2, %add3A_244 : i32
    %dma_start3A_246 = tpu.memref_slice %arg5[%add3A_245] : memref<4194304xf32, #tpu.memory_space<hbm>> -> memref<8192xf32, #tpu.memory_space<hbm>>
    %dma_start3A_247 = tpu.memref_slice %arg5[%add3A_245] : memref<4194304xf32, #tpu.memory_space<hbm>> -> memref<8192xf32, #tpu.memory_space<hbm>>
    tpu.enqueue_dma source(%arg18 : memref<8192xf32, #tpu.memory_space<vmem>>) target(%dma_start3A_247 : memref<8192xf32, #tpu.memory_space<hbm>>) target_semaphore(%arg36 : memref<!tpu.dma_semaphore, #tpu.memory_space<semaphore_mem>>)
    %dma_wait3A_248 = tpu.memref_slice %arg2[%add3A_175] : memref<4194304xi32, #tpu.memory_space<hbm>> -> memref<8192xi32, #tpu.memory_space<hbm>>
    %dma_wait3A_249 = tpu.memref_slice %arg2[%add3A_175] : memref<4194304xi32, #tpu.memory_space<hbm>> -> memref<8192xi32, #tpu.memory_space<hbm>>
    tpu.wait_dma2 semaphore(%arg19 : memref<!tpu.dma_semaphore, #tpu.memory_space<semaphore_mem>>) src(%dma_wait3A_249 : memref<8192xi32, #tpu.memory_space<hbm>>) dst(%arg7 : memref<8192xi32, #tpu.memory_space<vmem>>)
    %dma_wait3A_250 = tpu.memref_slice %arg3[%add3A_175] : memref<4194304xf32, #tpu.memory_space<hbm>> -> memref<8192xf32, #tpu.memory_space<hbm>>
    %dma_wait3A_251 = tpu.memref_slice %arg3[%add3A_175] : memref<4194304xf32, #tpu.memory_space<hbm>> -> memref<8192xf32, #tpu.memory_space<hbm>>
    tpu.wait_dma2 semaphore(%arg25 : memref<!tpu.dma_semaphore, #tpu.memory_space<semaphore_mem>>) src(%dma_wait3A_251 : memref<8192xf32, #tpu.memory_space<hbm>>) dst(%arg13 : memref<8192xf32, #tpu.memory_space<vmem>>)
    %parallel_loop3A_252 = arith.constant 0 : i32
    %parallel_loop3A_253 = arith.constant 512 : i32
    %parallel_loop3A_254 = arith.constant 1 : i32
    scf.for %parallel_loop3A_304 = %parallel_loop3A_252 to %parallel_loop3A_253 step %parallel_loop3A_254  : i32 {
      %parallel_loop3A_305 = arith.constant 16 : i32
      %parallel_loop3A_306 = arith.muli %parallel_loop3A_304, %parallel_loop3A_305 : i32
      %parallel_loop3A_307 = arith.index_cast %parallel_loop3A_306 : i32 to index
      %parallel_loop3A_308 = tpu.vector_load %arg7[%parallel_loop3A_307] {strides = array<i32>} : memref<8192xi32, #tpu.memory_space<vmem>>, vector<16xi32>,
      %parallel_loop3A_309 = tpu.vector_load_idx %arg6[%parallel_loop3A_308] : memref<64xf32, #tpu.memory_space<vmem>>[vector<16xi32>], vector<16xf32>,
      %parallel_loop3A_310 = arith.index_cast %parallel_loop3A_306 : i32 to index
      %parallel_loop3A_311 = tpu.vector_load %arg13[%parallel_loop3A_310] {strides = array<i32>} : memref<8192xf32, #tpu.memory_space<vmem>>, vector<16xf32>,
      tpu.vector_store %arg13[%parallel_loop3A_310], %parallel_loop3A_309 {add = true, strides = array<i32>} : memref<8192xf32, #tpu.memory_space<vmem>>, vector<16xf32>,
    } {sc.loop_unroll_factor = 8 : i64, sc.parallel_access}
    %add3A_255 = arith.constant 98304 : i32
    %add3A_256 = arith.addi %mul3A_2, %add3A_255 : i32
    %dma_start3A_257 = tpu.memref_slice %arg5[%add3A_256] : memref<4194304xf32, #tpu.memory_space<hbm>> -> memref<8192xf32, #tpu.memory_space<hbm>>
    %dma_start3A_258 = tpu.memref_slice %arg5[%add3A_256] : memref<4194304xf32, #tpu.memory_space<hbm>> -> memref<8192xf32, #tpu.memory_space<hbm>>
    tpu.enqueue_dma source(%arg13 : memref<8192xf32, #tpu.memory_space<vmem>>) target(%dma_start3A_258 : memref<8192xf32, #tpu.memory_space<hbm>>) target_semaphore(%arg31 : memref<!tpu.dma_semaphore, #tpu.memory_space<semaphore_mem>>)
    %dma_wait3A_259 = tpu.memref_slice %arg2[%add3A_194] : memref<4194304xi32, #tpu.memory_space<hbm>> -> memref<8192xi32, #tpu.memory_space<hbm>>
    %dma_wait3A_260 = tpu.memref_slice %arg2[%add3A_194] : memref<4194304xi32, #tpu.memory_space<hbm>> -> memref<8192xi32, #tpu.memory_space<hbm>>
    tpu.wait_dma2 semaphore(%arg20 : memref<!tpu.dma_semaphore, #tpu.memory_space<semaphore_mem>>) src(%dma_wait3A_260 : memref<8192xi32, #tpu.memory_space<hbm>>) dst(%arg8 : memref<8192xi32, #tpu.memory_space<vmem>>)
    %dma_wait3A_261 = tpu.memref_slice %arg3[%add3A_194] : memref<4194304xf32, #tpu.memory_space<hbm>> -> memref<8192xf32, #tpu.memory_space<hbm>>
    %dma_wait3A_262 = tpu.memref_slice %arg3[%add3A_194] : memref<4194304xf32, #tpu.memory_space<hbm>> -> memref<8192xf32, #tpu.memory_space<hbm>>
    tpu.wait_dma2 semaphore(%arg26 : memref<!tpu.dma_semaphore, #tpu.memory_space<semaphore_mem>>) src(%dma_wait3A_262 : memref<8192xf32, #tpu.memory_space<hbm>>) dst(%arg14 : memref<8192xf32, #tpu.memory_space<vmem>>)
    %parallel_loop3A_263 = arith.constant 0 : i32
    %parallel_loop3A_264 = arith.constant 512 : i32
    %parallel_loop3A_265 = arith.constant 1 : i32
    scf.for %parallel_loop3A_304 = %parallel_loop3A_263 to %parallel_loop3A_264 step %parallel_loop3A_265  : i32 {
      %parallel_loop3A_305 = arith.constant 16 : i32
      %parallel_loop3A_306 = arith.muli %parallel_loop3A_304, %parallel_loop3A_305 : i32
      %parallel_loop3A_307 = arith.index_cast %parallel_loop3A_306 : i32 to index
      %parallel_loop3A_308 = tpu.vector_load %arg8[%parallel_loop3A_307] {strides = array<i32>} : memref<8192xi32, #tpu.memory_space<vmem>>, vector<16xi32>,
      %parallel_loop3A_309 = tpu.vector_load_idx %arg6[%parallel_loop3A_308] : memref<64xf32, #tpu.memory_space<vmem>>[vector<16xi32>], vector<16xf32>,
      %parallel_loop3A_310 = arith.index_cast %parallel_loop3A_306 : i32 to index
      %parallel_loop3A_311 = tpu.vector_load %arg14[%parallel_loop3A_310] {strides = array<i32>} : memref<8192xf32, #tpu.memory_space<vmem>>, vector<16xf32>,
      tpu.vector_store %arg14[%parallel_loop3A_310], %parallel_loop3A_309 {add = true, strides = array<i32>} : memref<8192xf32, #tpu.memory_space<vmem>>, vector<16xf32>,
    } {sc.loop_unroll_factor = 8 : i64, sc.parallel_access}
    %add3A_266 = arith.constant 106496 : i32
    %add3A_267 = arith.addi %mul3A_2, %add3A_266 : i32
    %dma_start3A_268 = tpu.memref_slice %arg5[%add3A_267] : memref<4194304xf32, #tpu.memory_space<hbm>> -> memref<8192xf32, #tpu.memory_space<hbm>>
    %dma_start3A_269 = tpu.memref_slice %arg5[%add3A_267] : memref<4194304xf32, #tpu.memory_space<hbm>> -> memref<8192xf32, #tpu.memory_space<hbm>>
    tpu.enqueue_dma source(%arg14 : memref<8192xf32, #tpu.memory_space<vmem>>) target(%dma_start3A_269 : memref<8192xf32, #tpu.memory_space<hbm>>) target_semaphore(%arg32 : memref<!tpu.dma_semaphore, #tpu.memory_space<semaphore_mem>>)
    %dma_wait3A_270 = tpu.memref_slice %arg2[%add3A_213] : memref<4194304xi32, #tpu.memory_space<hbm>> -> memref<8192xi32, #tpu.memory_space<hbm>>
    %dma_wait3A_271 = tpu.memref_slice %arg2[%add3A_213] : memref<4194304xi32, #tpu.memory_space<hbm>> -> memref<8192xi32, #tpu.memory_space<hbm>>
    tpu.wait_dma2 semaphore(%arg21 : memref<!tpu.dma_semaphore, #tpu.memory_space<semaphore_mem>>) src(%dma_wait3A_271 : memref<8192xi32, #tpu.memory_space<hbm>>) dst(%arg9 : memref<8192xi32, #tpu.memory_space<vmem>>)
    %dma_wait3A_272 = tpu.memref_slice %arg3[%add3A_213] : memref<4194304xf32, #tpu.memory_space<hbm>> -> memref<8192xf32, #tpu.memory_space<hbm>>
    %dma_wait3A_273 = tpu.memref_slice %arg3[%add3A_213] : memref<4194304xf32, #tpu.memory_space<hbm>> -> memref<8192xf32, #tpu.memory_space<hbm>>
    tpu.wait_dma2 semaphore(%arg27 : memref<!tpu.dma_semaphore, #tpu.memory_space<semaphore_mem>>) src(%dma_wait3A_273 : memref<8192xf32, #tpu.memory_space<hbm>>) dst(%arg15 : memref<8192xf32, #tpu.memory_space<vmem>>)
    %parallel_loop3A_274 = arith.constant 0 : i32
    %parallel_loop3A_275 = arith.constant 512 : i32
    %parallel_loop3A_276 = arith.constant 1 : i32
    scf.for %parallel_loop3A_304 = %parallel_loop3A_274 to %parallel_loop3A_275 step %parallel_loop3A_276  : i32 {
      %parallel_loop3A_305 = arith.constant 16 : i32
      %parallel_loop3A_306 = arith.muli %parallel_loop3A_304, %parallel_loop3A_305 : i32
      %parallel_loop3A_307 = arith.index_cast %parallel_loop3A_306 : i32 to index
      %parallel_loop3A_308 = tpu.vector_load %arg9[%parallel_loop3A_307] {strides = array<i32>} : memref<8192xi32, #tpu.memory_space<vmem>>, vector<16xi32>,
      %parallel_loop3A_309 = tpu.vector_load_idx %arg6[%parallel_loop3A_308] : memref<64xf32, #tpu.memory_space<vmem>>[vector<16xi32>], vector<16xf32>,
      %parallel_loop3A_310 = arith.index_cast %parallel_loop3A_306 : i32 to index
      %parallel_loop3A_311 = tpu.vector_load %arg15[%parallel_loop3A_310] {strides = array<i32>} : memref<8192xf32, #tpu.memory_space<vmem>>, vector<16xf32>,
      tpu.vector_store %arg15[%parallel_loop3A_310], %parallel_loop3A_309 {add = true, strides = array<i32>} : memref<8192xf32, #tpu.memory_space<vmem>>, vector<16xf32>,
    } {sc.loop_unroll_factor = 8 : i64, sc.parallel_access}
    %add3A_277 = arith.constant 114688 : i32
    %add3A_278 = arith.addi %mul3A_2, %add3A_277 : i32
    %dma_start3A_279 = tpu.memref_slice %arg5[%add3A_278] : memref<4194304xf32, #tpu.memory_space<hbm>> -> memref<8192xf32, #tpu.memory_space<hbm>>
    %dma_start3A_280 = tpu.memref_slice %arg5[%add3A_278] : memref<4194304xf32, #tpu.memory_space<hbm>> -> memref<8192xf32, #tpu.memory_space<hbm>>
    tpu.enqueue_dma source(%arg15 : memref<8192xf32, #tpu.memory_space<vmem>>) target(%dma_start3A_280 : memref<8192xf32, #tpu.memory_space<hbm>>) target_semaphore(%arg33 : memref<!tpu.dma_semaphore, #tpu.memory_space<semaphore_mem>>)
    %dma_wait3A_281 = tpu.memref_slice %arg2[%add3A_232] : memref<4194304xi32, #tpu.memory_space<hbm>> -> memref<8192xi32, #tpu.memory_space<hbm>>
    %dma_wait3A_282 = tpu.memref_slice %arg2[%add3A_232] : memref<4194304xi32, #tpu.memory_space<hbm>> -> memref<8192xi32, #tpu.memory_space<hbm>>
    tpu.wait_dma2 semaphore(%arg22 : memref<!tpu.dma_semaphore, #tpu.memory_space<semaphore_mem>>) src(%dma_wait3A_282 : memref<8192xi32, #tpu.memory_space<hbm>>) dst(%arg10 : memref<8192xi32, #tpu.memory_space<vmem>>)
    %dma_wait3A_283 = tpu.memref_slice %arg3[%add3A_232] : memref<4194304xf32, #tpu.memory_space<hbm>> -> memref<8192xf32, #tpu.memory_space<hbm>>
    %dma_wait3A_284 = tpu.memref_slice %arg3[%add3A_232] : memref<4194304xf32, #tpu.memory_space<hbm>> -> memref<8192xf32, #tpu.memory_space<hbm>>
    tpu.wait_dma2 semaphore(%arg28 : memref<!tpu.dma_semaphore, #tpu.memory_space<semaphore_mem>>) src(%dma_wait3A_284 : memref<8192xf32, #tpu.memory_space<hbm>>) dst(%arg16 : memref<8192xf32, #tpu.memory_space<vmem>>)
    %parallel_loop3A_285 = arith.constant 0 : i32
    %parallel_loop3A_286 = arith.constant 512 : i32
    %parallel_loop3A_287 = arith.constant 1 : i32
    scf.for %parallel_loop3A_304 = %parallel_loop3A_285 to %parallel_loop3A_286 step %parallel_loop3A_287  : i32 {
      %parallel_loop3A_305 = arith.constant 16 : i32
      %parallel_loop3A_306 = arith.muli %parallel_loop3A_304, %parallel_loop3A_305 : i32
      %parallel_loop3A_307 = arith.index_cast %parallel_loop3A_306 : i32 to index
      %parallel_loop3A_308 = tpu.vector_load %arg10[%parallel_loop3A_307] {strides = array<i32>} : memref<8192xi32, #tpu.memory_space<vmem>>, vector<16xi32>,
      %parallel_loop3A_309 = tpu.vector_load_idx %arg6[%parallel_loop3A_308] : memref<64xf32, #tpu.memory_space<vmem>>[vector<16xi32>], vector<16xf32>,
      %parallel_loop3A_310 = arith.index_cast %parallel_loop3A_306 : i32 to index
      %parallel_loop3A_311 = tpu.vector_load %arg16[%parallel_loop3A_310] {strides = array<i32>} : memref<8192xf32, #tpu.memory_space<vmem>>, vector<16xf32>,
      tpu.vector_store %arg16[%parallel_loop3A_310], %parallel_loop3A_309 {add = true, strides = array<i32>} : memref<8192xf32, #tpu.memory_space<vmem>>, vector<16xf32>,
    } {sc.loop_unroll_factor = 8 : i64, sc.parallel_access}
    %add3A_288 = arith.constant 122880 : i32
    %add3A_289 = arith.addi %mul3A_2, %add3A_288 : i32
    %dma_start3A_290 = tpu.memref_slice %arg5[%add3A_289] : memref<4194304xf32, #tpu.memory_space<hbm>> -> memref<8192xf32, #tpu.memory_space<hbm>>
    %dma_start3A_291 = tpu.memref_slice %arg5[%add3A_289] : memref<4194304xf32, #tpu.memory_space<hbm>> -> memref<8192xf32, #tpu.memory_space<hbm>>
    tpu.enqueue_dma source(%arg16 : memref<8192xf32, #tpu.memory_space<vmem>>) target(%dma_start3A_291 : memref<8192xf32, #tpu.memory_space<hbm>>) target_semaphore(%arg34 : memref<!tpu.dma_semaphore, #tpu.memory_space<semaphore_mem>>)
    %dma_wait3A_292 = tpu.memref_slice %arg5[%add3A_226] : memref<4194304xf32, #tpu.memory_space<hbm>> -> memref<8192xf32, #tpu.memory_space<hbm>>
    %dma_wait3A_293 = tpu.memref_slice %arg5[%add3A_226] : memref<4194304xf32, #tpu.memory_space<hbm>> -> memref<8192xf32, #tpu.memory_space<hbm>>
    tpu.wait_dma2 semaphore(%arg35 : memref<!tpu.dma_semaphore, #tpu.memory_space<semaphore_mem>>) src(%arg17 : memref<8192xf32, #tpu.memory_space<vmem>>) dst(%dma_wait3A_293 : memref<8192xf32, #tpu.memory_space<hbm>>)
    %dma_wait3A_294 = tpu.memref_slice %arg5[%add3A_245] : memref<4194304xf32, #tpu.memory_space<hbm>> -> memref<8192xf32, #tpu.memory_space<hbm>>
    %dma_wait3A_295 = tpu.memref_slice %arg5[%add3A_245] : memref<4194304xf32, #tpu.memory_space<hbm>> -> memref<8192xf32, #tpu.memory_space<hbm>>
    tpu.wait_dma2 semaphore(%arg36 : memref<!tpu.dma_semaphore, #tpu.memory_space<semaphore_mem>>) src(%arg18 : memref<8192xf32, #tpu.memory_space<vmem>>) dst(%dma_wait3A_295 : memref<8192xf32, #tpu.memory_space<hbm>>)
    %dma_wait3A_296 = tpu.memref_slice %arg5[%add3A_256] : memref<4194304xf32, #tpu.memory_space<hbm>> -> memref<8192xf32, #tpu.memory_space<hbm>>
    %dma_wait3A_297 = tpu.memref_slice %arg5[%add3A_256] : memref<4194304xf32, #tpu.memory_space<hbm>> -> memref<8192xf32, #tpu.memory_space<hbm>>
    tpu.wait_dma2 semaphore(%arg31 : memref<!tpu.dma_semaphore, #tpu.memory_space<semaphore_mem>>) src(%arg13 : memref<8192xf32, #tpu.memory_space<vmem>>) dst(%dma_wait3A_297 : memref<8192xf32, #tpu.memory_space<hbm>>)
    %dma_wait3A_298 = tpu.memref_slice %arg5[%add3A_267] : memref<4194304xf32, #tpu.memory_space<hbm>> -> memref<8192xf32, #tpu.memory_space<hbm>>
    %dma_wait3A_299 = tpu.memref_slice %arg5[%add3A_267] : memref<4194304xf32, #tpu.memory_space<hbm>> -> memref<8192xf32, #tpu.memory_space<hbm>>
    tpu.wait_dma2 semaphore(%arg32 : memref<!tpu.dma_semaphore, #tpu.memory_space<semaphore_mem>>) src(%arg14 : memref<8192xf32, #tpu.memory_space<vmem>>) dst(%dma_wait3A_299 : memref<8192xf32, #tpu.memory_space<hbm>>)
    %dma_wait3A_300 = tpu.memref_slice %arg5[%add3A_278] : memref<4194304xf32, #tpu.memory_space<hbm>> -> memref<8192xf32, #tpu.memory_space<hbm>>
    %dma_wait3A_301 = tpu.memref_slice %arg5[%add3A_278] : memref<4194304xf32, #tpu.memory_space<hbm>> -> memref<8192xf32, #tpu.memory_space<hbm>>
    tpu.wait_dma2 semaphore(%arg33 : memref<!tpu.dma_semaphore, #tpu.memory_space<semaphore_mem>>) src(%arg15 : memref<8192xf32, #tpu.memory_space<vmem>>) dst(%dma_wait3A_301 : memref<8192xf32, #tpu.memory_space<hbm>>)
    %dma_wait3A_302 = tpu.memref_slice %arg5[%add3A_289] : memref<4194304xf32, #tpu.memory_space<hbm>> -> memref<8192xf32, #tpu.memory_space<hbm>>
    %dma_wait3A_303 = tpu.memref_slice %arg5[%add3A_289] : memref<4194304xf32, #tpu.memory_space<hbm>> -> memref<8192xf32, #tpu.memory_space<hbm>>
    tpu.wait_dma2 semaphore(%arg34 : memref<!tpu.dma_semaphore, #tpu.memory_space<semaphore_mem>>) src(%arg16 : memref<8192xf32, #tpu.memory_space<vmem>>) dst(%dma_wait3A_303 : memref<8192xf32, #tpu.memory_space<hbm>>)
    return
  }
}

</mosaic_0001>

<sc_bundles>
// kernel: kernel.3.cloned.1.call-start
scs
__scs_entry_jumppad:
0x0: {  	(pc) =	sbr.rel $0x88, $3  }
0x1: {  	(tag) =	ssettag $0x0;
	lr =	simm.s32 $0x1  }
0x2: {  	[smem:$0x3F9E] =	sst lr;
	_ =	strace $0xD0000000  }
0x3: {  	_ = 	snop  }
0x4: {  	_ = 	snop  }
0x5: {  	_ = 	snop  }
0x6: {  	_ = 	snop  }
0x7: {  	_ = 	snop  }
__scs_overlays_trampoline_lowered:
0x8: {  	[smem:$0x3FAD] =	sst s0  }
0x9: {  	[smem:$0x3FAE] =	sst s1  }
0xa: {  	[smem:$0x3FAF] =	sst s2  }
0xb: {  	[smem:$0x3FB0] =	sst s3  }
0xc: {  	[smem:$0x3FB1] =	sst s4  }
0xd: {  	[smem:$0x3FB2] =	sst s5  }
0xe: {  	[smem:$0x3FB3] =	sst s6  }
0xf: {  	[smem:$0x3FB4] =	sst s7  }
0x10: {  	[smem:$0x3FB5] =	sst s8  }
0x11: {  	[smem:$0x3FB6] =	sst s9;
	s0 =	simm.s32 @!p0 $0x0  }
0x12: {  	s1 =	sld [smem:$0x3F9C];
	s0 =	simm.s32 @p0 $0x1  }
0x13: {  	[smem:$0x3FB7] =	sst s0;
	s0 =	simm.s32 @!p1 $0x0  }
0x14: {  	s2 =	sld [smem:$0x3F9B];
	s0 =	simm.s32 @p1 $0x1  }
0x15: {  	[smem:$0x3FB8] =	sst s0;
	s0 =	simm.s32 @!p2 $0x0  }
0x16: {  	s3 =	sld [smem:$0x3FDB];
	s0 =	simm.s32 @p2 $0x1  }
0x17: {  	s4 =	simm.s32 $0x1BF5;
	[smem:$0x3FBA] =	sst s0  }
0x18: {  	s0 =	sld [smem:$0x3F9D];
	_ =	swait.ge [sflag:s4], $0x0  }
0x19: {  	s7 =	sld [smem:$0x3F9E]  }
0x1a: {  	s8 =	sadd.s32 $0xFFFFE003, lr  }
0x1b: {  	s9 =	sadd.s32 $0xFFFFFEF7, lr;
	s5 =	simm.s32 $0xFFFFFFFF;
	p2 =	slt.u32 s8, $0xFFFFF086  }
0x1c: {  	p1 =	slt.u32 s9, $0xF7A;
	s5 =	simm.s32 @!p2 $0x0  }
0x1d: {  	s5 =	simm.s32 @p1 $0x1;
	p0 =	seq.s32 s7, s2  }
0x1e: {  	s7 =	smul.u32 @!p0 $0xF7A, s2;
	p2 =	seq.s32 @!p0 s5, $0x0  }
0x1f: {  	s9 =	smul.u32 $0xF7A, s1;
	s8 =	simm.s32 @!p0 $0x1BF5;
	p2 =	por !p2, p0  }
0x20: {  	[sflag:s8] =	ssyncset.s32 @!p0 $0xFFFFF086;
	s6 =	sadd.s32 @!p0 s3, s7;
	s7 =	simm.s32 @!p0 $0x108  }
0x21: {  	s3 =	sadd.s32 s3, s9;
	s6 =	sadd.s32 @!p0 $0x88, s6;
	s7 =	simm.s32 @p2 $0x1082  }
0x22: {  	[simem:s7], [sflag:s8] =	dma.local @!p0 [hbm:s6], $0xF7A  }
0x23: {  	s9 =	sor.u32 $0xD0000000, s2;
	s6 =	simm.s32 $0x108;
	_ =	swait.ge @!p0 [sflag:s8], $0x0  }
0x24: {  	s3 =	sadd.s32 $0x88, s3;
	s6 =	simm.s32 @!p1 $0x1082;
	[sflag:s4] =	ssyncset.s32 $0xFFFFF086  }
0x25: {  	[simem:s6], [sflag:s4] =	dma.local [hbm:s3], $0xF7A  }
0x26: {  	[smem:$0x3F9E] =	sst s1;
	(tag) =	ssettag s2;
	_ =	strace s9  }
0x27: {  	s1 =	sld [smem:$0x3FAE]  }
0x28: {  	s2 =	sld [smem:$0x3FAF]  }
0x29: {  	s4 =	sld [smem:$0x3FB1]  }
0x2a: {  	p0 =	seq.s32 s5, $0x0;
	s5 =	sld [smem:$0x3FB2]  }
0x2b: {  	s6 =	sld [smem:$0x3FB3]  }
0x2c: {  	s7 =	sld [smem:$0x3FB4]  }
0x2d: {  	s3 =	simm.s32 $0x108;
	s8 =	sld [smem:$0x3FB5]  }
0x2e: {  	s3 =	simm.s32 @!p0 $0x1082;
	s9 =	sld [smem:$0x3FB6]  }
0x2f: {  	lr =	sadd.s32 s0, s3;
	s0 =	sld [smem:$0x3FAD]  }
0x30: {  	s3 =	sld [smem:$0x3FB0]  }
0x31: {  	[smem:$0x3FB9] =	sst s10  }
0x32: {  	s10 =	sld [smem:$0x3FB7];
	_ =	sdelay $0x3  }
0x33: {  	p0 =	seq.s32 s10, $0x1;
	s10 =	sld [smem:$0x3FB9];
	_ =	sdelay $0x3  }
0x34: {  	[smem:$0x3FB9] =	sst s10  }
0x35: {  	s10 =	sld [smem:$0x3FB8];
	_ =	sdelay $0x3  }
0x36: {  	p1 =	seq.s32 s10, $0x1;
	s10 =	sld [smem:$0x3FB9];
	_ =	sdelay $0x3  }
0x37: {  	[smem:$0x3FB9] =	sst s10  }
0x38: {  	s10 =	sld [smem:$0x3FBA]  }
0x39: {  	_ = 	snop;
	(pc) =	sbr.ind lr, $3  }
0x3a: {  	_ = 	snop  }
0x3b: {  	_ = 	snop  }
0x3c: {  	p2 =	seq.s32 s10, $0x1;
	s10 =	sld [smem:$0x3FB9]  }
0x3d: {  	_ =	shalt  }
0x3e: {  	_ =	shalt  }
0x3f: {  	_ =	shalt  }
0x40: {  	_ =	shalt  }
0x41: {  	_ =	shalt  }
0x42: {  	_ =	shalt  }
0x43: {  	_ =	shalt  }
0x44: {  	_ =	shalt  }
0x45: {  	_ =	shalt  }
0x46: {  	_ =	shalt  }
0x47: {  	_ =	shalt  }
0x48: {  	_ =	shalt  }
0x49: {  	_ =	shalt  }
0x4a: {  	_ =	shalt  }
0x4b: {  	_ =	shalt  }
0x4c: {  	_ =	shalt  }
0x4d: {  	_ =	shalt  }
0x4e: {  	_ =	shalt  }
0x4f: {  	_ =	shalt  }
0x50: {  	_ =	shalt  }
0x51: {  	_ =	shalt  }
0x52: {  	_ =	shalt  }
0x53: {  	_ =	shalt  }
0x54: {  	_ =	shalt  }
0x55: {  	_ =	shalt  }
0x56: {  	_ =	shalt  }
0x57: {  	_ =	shalt  }
0x58: {  	_ =	shalt  }
0x59: {  	_ =	shalt  }
0x5a: {  	_ =	shalt  }
0x5b: {  	_ =	shalt  }
0x5c: {  	_ =	shalt  }
0x5d: {  	_ =	shalt  }
0x5e: {  	_ =	shalt  }
0x5f: {  	_ =	shalt  }
0x60: {  	_ =	shalt  }
0x61: {  	_ =	shalt  }
0x62: {  	_ =	shalt  }
0x63: {  	_ =	shalt  }
0x64: {  	_ =	shalt  }
0x65: {  	_ =	shalt  }
0x66: {  	_ =	shalt  }
0x67: {  	_ =	shalt  }
0x68: {  	_ =	shalt  }
0x69: {  	_ =	shalt  }
0x6a: {  	_ =	shalt  }
0x6b: {  	_ =	shalt  }
0x6c: {  	_ =	shalt  }
0x6d: {  	_ =	shalt  }
0x6e: {  	_ =	shalt  }
0x6f: {  	_ =	shalt  }
0x70: {  	_ =	shalt  }
0x71: {  	_ =	shalt  }
0x72: {  	_ =	shalt  }
0x73: {  	_ =	shalt  }
0x74: {  	_ =	shalt  }
0x75: {  	_ =	shalt  }
0x76: {  	_ =	shalt  }
0x77: {  	_ =	shalt  }
0x78: {  	_ =	shalt  }
0x79: {  	_ =	shalt  }
0x7a: {  	_ =	shalt  }
0x7b: {  	_ =	shalt  }
0x7c: {  	_ =	shalt  }
0x7d: {  	_ =	shalt  }
0x7e: {  	_ =	shalt  }
0x7f: {  	_ =	shalt  }
0x80: {  	_ =	shalt  }
0x81: {  	_ =	shalt  }
0x82: {  	_ =	shalt  }
0x83: {  	_ =	shalt  }
0x84: {  	_ =	shalt  }
0x85: {  	_ =	shalt  }
0x86: {  	_ =	shalt  }
0x87: {  	_ =	shalt  }
.Lfunc_end0:
.L_simem_size_0:
called_computation_lowered:
.L_overlay_start_0:
0x88: {  	s2 =	sld [smem:$0x3FD9]  }
0x89: {  	s3 =	sld [smem:$0x3FFE];
	_ =	sdelay $0x1  }
0x8a: {  	s1 =	srdreg.scid  }
0x8b: {  	s0 =	sand.u32 $0x1, s1  }
0x8c: {  	s18 =	sshll.u32 s0, $0xA;
	s2 =	sadd.s32 s3, s2  }
0x8d: {  	s2 =	sadd.s32 s2, s18  }
0x8e: {  	[smem:$0x3FC5] =	sst s2  }
0x8f: {  	_ = 	snop  }
0x90: {  	s2 =	sld [smem:$0x3FC9]  }
0x91: {  	s19 =	sld [smem:$0x3FC8]  }
0x92: {  	s4 =	sld [smem:$0x3FC7]  }
0x93: {  	s5 =	sld [smem:$0x3FD0];
	(tm) =	ssettm $0x1  }
0x94: {  	s6 =	sld [smem:$0x3FFB];
	_ =	sdelay $0x3  }
0x95: {  	_ =	strace s6  }
0x96: {  	s6 =	sld [smem:$0x3FFC];
	_ =	sdelay $0x3  }
0x97: {  	_ =	strace s6  }
0x98: {  	s6 =	sld [smem:$0x3FFD];
	_ =	sdelay $0x3  }
0x99: {  	_ =	strace s6  }
0x9a: {  	_ =	strace $0x8FFFFFFF  }
0x9b: {  	s20 =	sld [smem:$0x3FDB];
	_ =	sdelay $0x1  }
0x9c: {  	s7 =	simm.s32 $_scs_section_size  }
0x9d: {  	s8 =	simm.s32 $_size__tile_overlayer_lowered;
	s9 =	simm.s32 $_tile_overlayer_lowered  }
0x9e: {  	s23 =	simm.s32 $0x1BFF;
	s22 =	sshll.u32 s9, $0x1;
	s6 =	sadd.s32 s7, s20  }
0x9f: {  	s10 =	simm.s32 $0x0;
	s21 =	sshll.u32 s8, $0x1;
	s8 =	sadd.s32 s22, s6  }
0xa0: {  	[timem:s10], [sflag:s23] =	dma.local [hbm:s8], s21  }
0xa1: {  	_ =	swait.ge [sflag:s23], s21  }
0xa2: {  	s7 =	ssub.s32 $0x0, s21;
	[sflag:s23] =	ssyncset.done $0x0  }
0xa3: {  	[sflag:s23] =	ssyncadd.s32 s7;
	_ =	sdelay $0x1  }
0xa4: {  	s24 =	simm.s32 $0x1B8B  }
0xa5: {  	_ =	swait.ge [sflag:s24], $0x1  }
0xa6: {  	[sflag:s24] =	ssyncset.done $0x0  }
0xa7: {  	s25 =	simm.s32 $0x1B8E;
	[sflag:s24] =	ssyncadd.s32 $0xFFFFFFFF  }
0xa8: {  	s26 =	simm.s32 $execute0_lowered;
	[smem:$0x3FD2] =	sst s25  }
0xa9: {  	s7 =	sshll.u32 s26, $0x1;
	_ =	strace $0x80000046;
	[dreg:$0x1] =	wrdreg $0xFFFFFFFF  }
0xaa: {  	s28 =	simm.s32 $_size_execute0_lowered;
	s6 =	sadd.s32 s6, s7;
	[dreg:$0x0] =	wrdreg $0x0  }
0xab: {  	s7 =	sshll.u32 s28, $0x1;
	[dreg:$0x2] =	wrdreg s6  }
0xac: {  	[dreg:$0x3] =	wrdreg s7  }
0xad: {  	[dreg:$0x4] =	wrdreg $0xC0  }
0xae: {  	_ =	task [dreg:s10], $0x5FFFF  }
0xaf: {  	[dreg:$0x1] =	wrdreg $0xFFFFFFFF  }
0xb0: {  	[dreg:$0x0] =	wrdreg $0x60  }
0xb1: {  	[dreg:$0x2] =	wrdreg s2  }
0xb2: {  	[dreg:$0x3] =	wrdreg s19  }
0xb3: {  	[dreg:$0x4] =	wrdreg s4  }
0xb4: {  	[dreg:$0x5] =	wrdreg s5  }
0xb5: {  	[dreg:$0x6] =	wrdreg $0x9  }
0xb6: {  	_ =	task.clear_ibuf [dreg:s10], $0x7FFFF;
	_ =	strace $0x90000046  }
0xb7: {  	s29 =	simm.s32 $0x9;
	_ =	strace $0x80000048  }
0xb8: {  	_ =	swait.ge [sflag:s29], $0x1  }
0xb9: {  	[sflag:s29] =	ssyncadd.s32 $0xFFFFFFFF  }
0xba: {  	_ =	strace $0x90000048  }
0xbb: {  	_ =	sfence  }
0xbc: {  	s30 =	sld [smem:$0x0];
	_ =	sdelay $0x2  }
0xbd: {  	s31 =	sshll.u32 s1, $0xD;
	s1 =	sshrl.u32 s1, $0x2  }
0xbe: {  	s3 =	sand.u32 $0x4000, s31;
	s1 =	sadd.s32 s1, s30  }
0xbf: {  	s0 =	sor.u32 s3, s0;
	s1 =	sshll.u32 s1, $0x11  }
0xc0: {  	s0 =	sor.u32 s1, s0  }
0xc1: {  	s0 =	sadd.s32 $0x8F2B, s0  }
0xc2: {  	[sflag:s0] =	ssyncadd.remote.s32 $0x1  }
0xc3: {  	_ =	sfence.sel $0xFFFF  }
0xc4: {  	[dreg:$0x0] =	wrdreg $0xFFFFFFFF;
	(pc) =	sbr.abs _section_cstart, $3  }
0xc5: {  	[dreg:$0x1] =	wrdreg $0xFFFFFFFF  }
0xc6: {  	_ =	task.clear_ibuf [dreg:s10], $0x2FFFF;
	_ =	strace $0x9FFFFFFF  }
0xc7: {  	(tm) =	ssettm $0x7FFFFFFF  }
tec
execute0_lowered:
.L_overlay_start_1:
0x0: {  	(tag) =	ssettag $0x1  }
0x1: {  	s0 =	srdreg.scid  }
0x2: {  	s1 =	stileid.u32;
	s4 =	sand.u32 $0x1, s0  }
0x3: {  	s3 =	rddreg [dreg:$0x0];
	s5 =	sshll.u32 s1, $0xF;
	s6 =	sshll.u32 s4, $0xE  }
0x4: {  	s2 =	rddreg [dreg:$0x1];
	s5 =	sor.u32 s6, s5  }
0x5: {  	s0 =	rddreg [dreg:$0x3];
	s1 =	simm.s32 $0x0;
	s7 =	sor.u32 $0x400, s5  }
0x6: {  	[smem:$0x7FF] =	sst s1;
	s14 =	sadd.s32 s3, s7  }
0x7: {  	s15 =	sor.u32 $0x800, s5;
	s8 =	sadd.s32 s2, s7;
	[dreg:$0x5] =	wrdreg s14  }
0x8: {  	s16 =	sadd.s32 s3, s15;
	[dreg:$0x6] =	wrdreg s8  }
0x9: {  	s17 =	sor.u32 $0xC00, s5;
	s9 =	sadd.s32 s2, s15;
	[dreg:$0x7] =	wrdreg s16  }
0xa: {  	s18 =	sadd.s32 s3, s17;
	[dreg:$0x8] =	wrdreg s9  }
0xb: {  	s19 =	sor.u32 $0x1000, s5;
	s10 =	sadd.s32 s2, s17;
	[dreg:$0x9] =	wrdreg s18  }
0xc: {  	s20 =	sadd.s32 s3, s19;
	[dreg:$0xa] =	wrdreg s10  }
0xd: {  	s21 =	sor.u32 $0x1400, s5;
	s11 =	sadd.s32 s2, s19;
	[dreg:$0xb] =	wrdreg s20  }
0xe: {  	s22 =	sadd.s32 s3, s21;
	[dreg:$0xc] =	wrdreg s11  }
0xf: {  	s12 =	sadd.s32 s2, s21;
	[dreg:$0xd] =	wrdreg s22  }
0x10: {  	s23 =	sor.u32 $0x1800, s5;
	s7 =	sadd.s32 s0, s7;
	[dreg:$0xe] =	wrdreg s12  }
0x11: {  	s4 =	ssub.s32 $0x2, s4;
	s24 =	sadd.s32 s3, s23;
	[dreg:$0xf] =	wrdreg s7  }
0x12: {  	s13 =	sshrl.u32 s4, $0x1;
	s25 =	sadd.s32 s2, s23;
	[dreg:$0x10] =	wrdreg s24  }
0x13: {  	s26 =	sor.u32 $0x1C00, s5;
	s6 =	sadd.s32 s0, s15;
	[dreg:$0x11] =	wrdreg s25  }
0x14: {  	s4 =	ssub.s32 s4, s13;
	s13 =	sadd.s32 s3, s26;
	[dreg:$0x12] =	wrdreg s6  }
0x15: {  	s15 =	sadd.s32 s2, s26;
	[dreg:$0x17] =	wrdreg s13  }
0x16: {  	s8 =	sadd.s32 s0, s17;
	[dreg:$0x18] =	wrdreg s15  }
0x17: {  	s9 =	sadd.s32 s0, s19;
	[dreg:$0x13] =	wrdreg s8  }
0x18: {  	s10 =	sadd.s32 s0, s21;
	[dreg:$0x14] =	wrdreg s9  }
0x19: {  	s12 =	sadd.s32 s0, s23;
	[dreg:$0x15] =	wrdreg s10  }
0x1a: {  	s6 =	sadd.s32 s0, s26;
	[dreg:$0x16] =	wrdreg s12  }
0x1b: {  	s26 =	sadd.s32 s3, s5;
	[dreg:$0x19] =	wrdreg s6  }
0x1c: {  	s14 =	sor.u32 $0x2000, s5;
	s7 =	sadd.s32 s2, s5;
	[smem:$0x7EB] =	sst s26  }
0x1d: {  	s16 =	sadd.s32 s3, s14;
	[smem:$0x7EC] =	sst s7  }
0x1e: {  	s17 =	sadd.s32 s2, s14;
	[dreg:$0x1a] =	wrdreg s16  }
0x1f: {  	s19 =	sor.u32 $0x2400, s5;
	s18 =	sadd.s32 s0, s14;
	[dreg:$0x1b] =	wrdreg s17  }
0x20: {  	s28 =	simm.s32 $0x10080;
	s20 =	sadd.s32 s3, s19;
	[dreg:$0x1c] =	wrdreg s18  }
0x21: {  	s29 =	simm.s32 $0x6080;
	s21 =	sadd.s32 s2, s19;
	[dreg:$0x1d] =	wrdreg s20  }
0x22: {  	s22 =	sor.u32 $0x2800, s5;
	s6 =	sadd.s32 s0, s19;
	[dreg:$0x1e] =	wrdreg s21  }
0x23: {  	s30 =	simm.s32 $0x12080;
	s23 =	sadd.s32 s3, s22;
	[dreg:$0x1f] =	wrdreg s6  }
0x24: {  	s31 =	simm.s32 $0x3;
	s24 =	sadd.s32 s2, s22;
	[smem:$0x7E8] =	sst s23  }
0x25: {  	s11 =	sor.u32 $0x3000, s5;
	s25 =	sadd.s32 s0, s22;
	[smem:$0x7E9] =	sst s24  }
0x26: {  	s13 =	sor.u32 $0x3800, s5;
	s8 =	sadd.s32 s0, s5;
	[smem:$0x7EA] =	sst s25  }
0x27: {  	s9 =	sor.u32 $0x2C00, s5;
	s15 =	sadd.s32 s3, s11;
	[smem:$0x7ED] =	sst s8  }
0x28: {  	s12 =	sor.u32 $0x3400, s5;
	s19 =	sadd.s32 s2, s11;
	[smem:$0x7EF] =	sst s15  }
0x29: {  	s5 =	sor.u32 $0x3C00, s5;
	s14 =	sadd.s32 s3, s9;
	[smem:$0x7F4] =	sst s19  }
0x2a: {  	s26 =	smax.u32 s4, $0x1;
	s16 =	sadd.s32 s3, s12;
	[smem:$0x7EE] =	sst s14  }
0x2b: {  	s7 =	simm.s32 $0x8;
	s17 =	sadd.s32 s3, s13;
	[smem:$0x7F0] =	sst s16  }
0x2c: {  	s10 =	simm.s32 $0xE;
	s3 =	sadd.s32 s3, s5;
	[smem:$0x7F1] =	sst s17  }
0x2d: {  	s4 =	simm.s32 $0xF;
	s18 =	sadd.s32 s2, s9;
	[smem:$0x7F2] =	sst s3  }
0x2e: {  	s20 =	sadd.s32 s2, s12;
	s21 =	sadd.s32 s2, s13;
	[smem:$0x7F3] =	sst s18  }
0x2f: {  	s2 =	sadd.s32 s2, s5;
	s22 =	sadd.s32 s0, s9;
	[smem:$0x7F5] =	sst s20  }
0x30: {  	s23 =	sadd.s32 s0, s11;
	s24 =	sadd.s32 s0, s12;
	[smem:$0x7F6] =	sst s21  }
0x31: {  	s25 =	sadd.s32 s0, s13;
	s0 =	sadd.s32 s0, s5;
	[smem:$0x7F7] =	sst s2  }
0x32: {  	s5 =	simm.s32 $0x16080;
	s6 =	simm.s32 $0x2;
	[smem:$0x7F8] =	sst s22  }
0x33: {  	s8 =	simm.s32 $0xD;
	s9 =	simm.s32 $0x9;
	[smem:$0x7F9] =	sst s23  }
0x34: {  	s11 =	simm.s32 $0x4;
	s12 =	simm.s32 $0xA;
	[smem:$0x7FA] =	sst s24  }
0x35: {  	s13 =	simm.s32 $0x5;
	s15 =	simm.s32 $0x10;
	[smem:$0x7FB] =	sst s25  }
0x36: {  	s19 =	simm.s32 $0x12;
	[smem:$0x7FC] =	sst s0;
	s23 =	simm.s32 $0xC080  }
0x37: {  	s25 =	simm.s32 $0xE080;
	s0 =	simm.s32 $0x14080;
	s2 =	simm.s32 $0x1  }
0x38: {  	s3 =	simm.s32 $0x7;
	s14 =	simm.s32 $0xB;
	s16 =	simm.s32 $0x6  }
0x39: {  	s17 =	simm.s32 $0xC;
	s18 =	simm.s32 $0x11;
	s20 =	simm.s32 $0x0  }
0x3a: {  	_ =	strace $0x80000047;
	[smem:$0x7FD] =	sst s26;
	s26 =	simm.s32 $0x4080  }
.LBB2_1:
0x3b: {  	s21 =	rddreg [dreg:$0x2];
	s22 =	simm.s32 $0x13  }
0x3c: {  	[tilespmem:s1], [sflag:$0x13] =	stream.linear.gather [hbm4b:s21+s1], $0x80, $0x38;
	[tilespmem:$0x18080] =	vst v63  }
0x3d: {  	_ =	swait.ge [sflag:s22], $0x80  }
0x3e: {  	s24 =	sld [smem:$0x7EB]  }
0x3f: {  	[sflag:s22] =	ssyncset.done $0x0  }
0x40: {  	[sflag:s22] =	ssyncadd.s32 $0xFFFFFF80;
	s22 =	simm.s32 $0x80  }
0x41: {  	[tilespmem:s22], [sflag:$0x1] =	stream.linear.gather [hbm4b:s24+s1], $0x2000, $0x38;
	[tilespmem:$0x18080] =	vst v63  }
0x42: {  	s24 =	sld [smem:$0x7EC];
	_ =	sdelay $0x2  }
0x43: {  	[tilespmem:s23], [sflag:$0x7] =	stream.linear.gather [hbm4b:s24+s1], $0x2000, $0x38;
	[tilespmem:$0x18080] =	vst v63  }
0x44: {  	s22 =	rddreg [dreg:$0x5];
	s24 =	simm.s32 $0x2080  }
0x45: {  	[tilespmem:s24], [sflag:$0x2] =	stream.linear.gather [hbm4b:s22+s1], $0x2000, $0x38;
	[tilespmem:$0x18080] =	vst v63  }
0x46: {  	s24 =	rddreg [dreg:$0x6]  }
0x47: {  	[tilespmem:s25], [sflag:$0x8] =	stream.linear.gather [hbm4b:s24+s1], $0x2000, $0x38;
	[tilespmem:$0x18080] =	vst v63  }
0x48: {  	s22 =	rddreg [dreg:$0x7]  }
0x49: {  	[tilespmem:s26], [sflag:$0x3] =	stream.linear.gather [hbm4b:s22+s1], $0x2000, $0x38;
	[tilespmem:$0x18080] =	vst v63  }
0x4a: {  	s24 =	rddreg [dreg:$0x8]  }
0x4b: {  	[tilespmem:s28], [sflag:$0x9] =	stream.linear.gather [hbm4b:s24+s1], $0x2000, $0x38;
	[tilespmem:$0x18080] =	vst v63  }
0x4c: {  	s22 =	rddreg [dreg:$0x9]  }
0x4d: {  	[tilespmem:s29], [sflag:$0x4] =	stream.linear.gather [hbm4b:s22+s1], $0x2000, $0x38;
	[tilespmem:$0x18080] =	vst v63  }
0x4e: {  	s24 =	rddreg [dreg:$0xa]  }
0x4f: {  	[tilespmem:s30], [sflag:$0xA] =	stream.linear.gather [hbm4b:s24+s1], $0x2000, $0x38;
	[tilespmem:$0x18080] =	vst v63  }
0x50: {  	s22 =	rddreg [dreg:$0xb];
	s24 =	simm.s32 $0x8080  }
0x51: {  	[tilespmem:s24], [sflag:$0x5] =	stream.linear.gather [hbm4b:s22+s1], $0x2000, $0x38;
	[tilespmem:$0x18080] =	vst v63  }
0x52: {  	s24 =	rddreg [dreg:$0xc]  }
0x53: {  	[tilespmem:s0], [sflag:$0xB] =	stream.linear.gather [hbm4b:s24+s1], $0x2000, $0x38;
	[tilespmem:$0x18080] =	vst v63  }
0x54: {  	_ =	swait.ge [sflag:s2], $0x2000  }
0x55: {  	[sflag:s2] =	ssyncset.done $0x0  }
0x56: {  	[sflag:s2] =	ssyncadd.s32 $0xFFFFE000  }
0x57: {  	_ =	swait.ge [sflag:s3], $0x2000  }
0x58: {  	[sflag:s3] =	ssyncset.done $0x0  }
0x59: {  	s21 =	simm.s32 $0x0;
	[sflag:s3] =	ssyncadd.s32 $0xFFFFE000  }
0x5a: {  	v0 =	vld [tilespmem:s21+$0xF0]  }
0x5b: {  	v1 =	vld [tilespmem:s21+$0x80]  }
0x5c: {  	v2 =	vld [tilespmem:s21+$0x90]  }
0x5d: {  	v3 =	vld [tilespmem:s21+$0xA0]  }
0x5e: {  	v4 =	vld [tilespmem:s21+$0xB0]  }
0x5f: {  	v5 =	vld [tilespmem:s21+$0xC0]  }
0x60: {  	v6 =	vld [tilespmem:s21+$0xD0]  }
0x61: {  	v7 =	vld [tilespmem:s21+$0xE0]  }
0x62: {  	v0 =	vld.idx.msk [tilespmem:v0+s1+$0x0], $0xffff  }
0x63: {  	v1 =	vld.idx.msk [tilespmem:v1+s1+$0x0], $0xffff  }
0x64: {  	v2 =	vld.idx.msk [tilespmem:v2+s1+$0x0], $0xffff  }
0x65: {  	v3 =	vld.idx.msk [tilespmem:v3+s1+$0x0], $0xffff  }
0x66: {  	v4 =	vld.idx.msk [tilespmem:v4+s1+$0x0], $0xffff  }
0x67: {  	v5 =	vld.idx.msk [tilespmem:v5+s1+$0x0], $0xffff  }
0x68: {  	v6 =	vld.idx.msk [tilespmem:v6+s1+$0x0], $0xffff  }
0x69: {  	[tilespmem:s21+$0xC0F0] =	vst.add.f32.msk $0xffff, v0  }
0x6a: {  	v0 =	vld.idx.msk [tilespmem:v7+s1+$0x0], $0xffff  }
0x6b: {  	[tilespmem:s21+$0xC080] =	vst.add.f32.msk $0xffff, v1  }
0x6c: {  	[tilespmem:s21+$0xC090] =	vst.add.f32.msk $0xffff, v2  }
0x6d: {  	[tilespmem:s21+$0xC0A0] =	vst.add.f32.msk $0xffff, v3  }
0x6e: {  	[tilespmem:s21+$0xC0B0] =	vst.add.f32.msk $0xffff, v4  }
0x6f: {  	[tilespmem:s21+$0xC0C0] =	vst.add.f32.msk $0xffff, v5  }
0x70: {  	s22 =	simm.s32 $0x0;
	s24 =	simm.s32 $0x200;
	[tilespmem:s21+$0xC0D0] =	vst.add.f32.msk $0xffff, v6  }
.LBB2_2:
0x71: {  	s22 =	sadd.s32 $0x8, s22;
	[tilespmem:s21+$0xC0E0] =	vst.add.f32.msk $0xffff, v0;
	s21 =	sshra.s32 s24, $0x2  }
0x72: {  	v0 =	vld [tilespmem:s21+$0xF0];
	p0 =	slt.u32 s22, $0x1F8  }
0x73: {  	v1 =	vld [tilespmem:s21+$0x80]  }
0x74: {  	v2 =	vld [tilespmem:s21+$0x90]  }
0x75: {  	v3 =	vld [tilespmem:s21+$0xA0]  }
0x76: {  	v4 =	vld [tilespmem:s21+$0xB0]  }
0x77: {  	v5 =	vld [tilespmem:s21+$0xC0]  }
0x78: {  	v6 =	vld [tilespmem:s21+$0xD0]  }
0x79: {  	v7 =	vld [tilespmem:s21+$0xE0]  }
0x7a: {  	v0 =	vld.idx.msk [tilespmem:v0+s1+$0x0], $0xffff  }
0x7b: {  	v1 =	vld.idx.msk [tilespmem:v1+s1+$0x0], $0xffff  }
0x7c: {  	v2 =	vld.idx.msk [tilespmem:v2+s1+$0x0], $0xffff  }
0x7d: {  	v3 =	vld.idx.msk [tilespmem:v3+s1+$0x0], $0xffff  }
0x7e: {  	v4 =	vld.idx.msk [tilespmem:v4+s1+$0x0], $0xffff  }
0x7f: {  	v5 =	vld.idx.msk [tilespmem:v5+s1+$0x0], $0xffff  }
0x80: {  	[tilespmem:s21+$0xC0F0] =	vst.add.f32.msk $0xffff, v0  }
0x81: {  	v6 =	vld.idx.msk [tilespmem:v6+s1+$0x0], $0xffff  }
0x82: {  	v0 =	vld.idx.msk [tilespmem:v7+s1+$0x0], $0xffff  }
0x83: {  	[tilespmem:s21+$0xC080] =	vst.add.f32.msk $0xffff, v1  }
.Ltmp0:
0x84: {  	[tilespmem:s21+$0xC090] =	vst.add.f32.msk $0xffff, v2;
	(pc) =	sbr.rel @p0 .LBB2_2-.Ltmp0, $4  }
0x85: {  	[tilespmem:s21+$0xC0A0] =	vst.add.f32.msk $0xffff, v3  }
0x86: {  	[tilespmem:s21+$0xC0B0] =	vst.add.f32.msk $0xffff, v4  }
0x87: {  	[tilespmem:s21+$0xC0C0] =	vst.add.f32.msk $0xffff, v5  }
0x88: {  	s24 =	sadd.s32 $0x200, s24;
	[tilespmem:s21+$0xC0D0] =	vst.add.f32.msk $0xffff, v6  }
0x89: {  	[tilespmem:s21+$0xC0E0] =	vst.add.f32.msk $0xffff, v0  }
0x8a: {  	s22 =	sld [smem:$0x7ED];
	_ =	sdelay $0x1  }
0x8b: {  	s21 =	simm.s32 $0x0  }
0x8c: {  	[hbm4b:s22+s21] =	stream.linear.scatter [tilespmem:s23], [sflag:$0xD], $0x2000, $0x38;
	[tilespmem:$0x18080] =	vst v63  }
0x8d: {  	s24 =	simm.s32 $0xA080;
	s22 =	rddreg [dreg:$0xd]  }
0x8e: {  	[tilespmem:s24], [sflag:$0x6] =	stream.linear.gather [hbm4b:s22+s21], $0x2000, $0x38;
	[tilespmem:$0x18080] =	vst v63  }
0x8f: {  	s24 =	rddreg [dreg:$0xe]  }
0x90: {  	[tilespmem:s5], [sflag:$0xC] =	stream.linear.gather [hbm4b:s24+s21], $0x2000, $0x38;
	[tilespmem:$0x18080] =	vst v63  }
0x91: {  	_ =	swait.ge [sflag:s6], $0x2000  }
0x92: {  	[sflag:s6] =	ssyncset.done $0x0  }
0x93: {  	[sflag:s6] =	ssyncadd.s32 $0xFFFFE000  }
0x94: {  	_ =	swait.ge [sflag:s7], $0x2000  }
0x95: {  	[sflag:s7] =	ssyncset.done $0x0  }
0x96: {  	s21 =	simm.s32 $0x0;
	[sflag:s7] =	ssyncadd.s32 $0xFFFFE000  }
0x97: {  	v0 =	vld [tilespmem:s21+$0x20F0]  }
0x98: {  	v1 =	vld [tilespmem:s21+$0x2080]  }
0x99: {  	v2 =	vld [tilespmem:s21+$0x2090]  }
0x9a: {  	v3 =	vld [tilespmem:s21+$0x20A0]  }
0x9b: {  	v4 =	vld [tilespmem:s21+$0x20B0]  }
0x9c: {  	v5 =	vld [tilespmem:s21+$0x20C0]  }
0x9d: {  	v6 =	vld [tilespmem:s21+$0x20D0]  }
0x9e: {  	v7 =	vld [tilespmem:s21+$0x20E0]  }
0x9f: {  	v0 =	vld.idx.msk [tilespmem:v0+s1+$0x0], $0xffff  }
0xa0: {  	v1 =	vld.idx.msk [tilespmem:v1+s1+$0x0], $0xffff  }
0xa1: {  	v2 =	vld.idx.msk [tilespmem:v2+s1+$0x0], $0xffff  }
0xa2: {  	v3 =	vld.idx.msk [tilespmem:v3+s1+$0x0], $0xffff  }
0xa3: {  	v4 =	vld.idx.msk [tilespmem:v4+s1+$0x0], $0xffff  }
0xa4: {  	v5 =	vld.idx.msk [tilespmem:v5+s1+$0x0], $0xffff  }
0xa5: {  	v6 =	vld.idx.msk [tilespmem:v6+s1+$0x0], $0xffff  }
0xa6: {  	[tilespmem:s21+$0xE0F0] =	vst.add.f32.msk $0xffff, v0  }
0xa7: {  	v0 =	vld.idx.msk [tilespmem:v7+s1+$0x0], $0xffff  }
0xa8: {  	[tilespmem:s21+$0xE080] =	vst.add.f32.msk $0xffff, v1  }
0xa9: {  	[tilespmem:s21+$0xE090] =	vst.add.f32.msk $0xffff, v2  }
0xaa: {  	[tilespmem:s21+$0xE0A0] =	vst.add.f32.msk $0xffff, v3  }
0xab: {  	[tilespmem:s21+$0xE0B0] =	vst.add.f32.msk $0xffff, v4  }
0xac: {  	[tilespmem:s21+$0xE0C0] =	vst.add.f32.msk $0xffff, v5  }
0xad: {  	s22 =	simm.s32 $0x0;
	s24 =	simm.s32 $0x200;
	[tilespmem:s21+$0xE0D0] =	vst.add.f32.msk $0xffff, v6  }
.LBB2_4:
0xae: {  	s22 =	sadd.s32 $0x8, s22;
	[tilespmem:s21+$0xE0E0] =	vst.add.f32.msk $0xffff, v0;
	s21 =	sshra.s32 s24, $0x2  }
0xaf: {  	v0 =	vld [tilespmem:s21+$0x20F0];
	p0 =	slt.u32 s22, $0x1F8  }
0xb0: {  	v1 =	vld [tilespmem:s21+$0x2080]  }
0xb1: {  	v2 =	vld [tilespmem:s21+$0x2090]  }
0xb2: {  	v3 =	vld [tilespmem:s21+$0x20A0]  }
0xb3: {  	v4 =	vld [tilespmem:s21+$0x20B0]  }
0xb4: {  	v5 =	vld [tilespmem:s21+$0x20C0]  }
0xb5: {  	v6 =	vld [tilespmem:s21+$0x20D0]  }
0xb6: {  	v7 =	vld [tilespmem:s21+$0x20E0]  }
0xb7: {  	v0 =	vld.idx.msk [tilespmem:v0+s1+$0x0], $0xffff  }
0xb8: {  	v1 =	vld.idx.msk [tilespmem:v1+s1+$0x0], $0xffff  }
0xb9: {  	v2 =	vld.idx.msk [tilespmem:v2+s1+$0x0], $0xffff  }
0xba: {  	v3 =	vld.idx.msk [tilespmem:v3+s1+$0x0], $0xffff  }
0xbb: {  	v4 =	vld.idx.msk [tilespmem:v4+s1+$0x0], $0xffff  }
0xbc: {  	v5 =	vld.idx.msk [tilespmem:v5+s1+$0x0], $0xffff  }
0xbd: {  	[tilespmem:s21+$0xE0F0] =	vst.add.f32.msk $0xffff, v0  }
0xbe: {  	v6 =	vld.idx.msk [tilespmem:v6+s1+$0x0], $0xffff  }
0xbf: {  	v0 =	vld.idx.msk [tilespmem:v7+s1+$0x0], $0xffff  }
0xc0: {  	[tilespmem:s21+$0xE080] =	vst.add.f32.msk $0xffff, v1  }
.Ltmp1:
0xc1: {  	[tilespmem:s21+$0xE090] =	vst.add.f32.msk $0xffff, v2;
	(pc) =	sbr.rel @p0 .LBB2_4-.Ltmp1, $4  }
0xc2: {  	[tilespmem:s21+$0xE0A0] =	vst.add.f32.msk $0xffff, v3  }
0xc3: {  	[tilespmem:s21+$0xE0B0] =	vst.add.f32.msk $0xffff, v4  }
0xc4: {  	[tilespmem:s21+$0xE0C0] =	vst.add.f32.msk $0xffff, v5  }
0xc5: {  	s24 =	sadd.s32 $0x200, s24;
	[tilespmem:s21+$0xE0D0] =	vst.add.f32.msk $0xffff, v6  }
0xc6: {  	[tilespmem:s21+$0xE0E0] =	vst.add.f32.msk $0xffff, v0  }
0xc7: {  	s21 =	simm.s32 $0x0;
	s22 =	rddreg [dreg:$0xf]  }
0xc8: {  	[hbm4b:s22+s21] =	stream.linear.scatter [tilespmem:s25], [sflag:$0xE], $0x2000, $0x38;
	[tilespmem:$0x18080] =	vst v63  }
0xc9: {  	_ =	swait.ge [sflag:s8], $0x2000  }
0xca: {  	[sflag:s8] =	ssyncset.done $0x0  }
0xcb: {  	s24 =	simm.s32 $0x80;
	s22 =	rddreg [dreg:$0x10];
	[sflag:s8] =	ssyncadd.s32 $0xFFFFE000  }
0xcc: {  	[tilespmem:s24], [sflag:$0x1] =	stream.linear.gather [hbm4b:s22+s21], $0x2000, $0x38;
	[tilespmem:$0x18080] =	vst v63  }
0xcd: {  	s24 =	rddreg [dreg:$0x11]  }
0xce: {  	[tilespmem:s23], [sflag:$0x7] =	stream.linear.gather [hbm4b:s24+s21], $0x2000, $0x38;
	[tilespmem:$0x18080] =	vst v63  }
0xcf: {  	_ =	swait.ge [sflag:s31], $0x2000  }
0xd0: {  	[sflag:s31] =	ssyncset.done $0x0  }
0xd1: {  	[sflag:s31] =	ssyncadd.s32 $0xFFFFE000  }
0xd2: {  	_ =	swait.ge [sflag:s9], $0x2000  }
0xd3: {  	[sflag:s9] =	ssyncset.done $0x0  }
0xd4: {  	s21 =	simm.s32 $0x0;
	[sflag:s9] =	ssyncadd.s32 $0xFFFFE000  }
0xd5: {  	v0 =	vld [tilespmem:s21+$0x40F0]  }
0xd6: {  	v1 =	vld [tilespmem:s21+$0x4080]  }
0xd7: {  	v2 =	vld [tilespmem:s21+$0x4090]  }
0xd8: {  	v3 =	vld [tilespmem:s21+$0x40A0]  }
0xd9: {  	v4 =	vld [tilespmem:s21+$0x40B0]  }
0xda: {  	v5 =	vld [tilespmem:s21+$0x40C0]  }
0xdb: {  	v6 =	vld [tilespmem:s21+$0x40D0]  }
0xdc: {  	v7 =	vld [tilespmem:s21+$0x40E0]  }
0xdd: {  	v0 =	vld.idx.msk [tilespmem:v0+s1+$0x0], $0xffff  }
0xde: {  	v1 =	vld.idx.msk [tilespmem:v1+s1+$0x0], $0xffff  }
0xdf: {  	v2 =	vld.idx.msk [tilespmem:v2+s1+$0x0], $0xffff  }
0xe0: {  	v3 =	vld.idx.msk [tilespmem:v3+s1+$0x0], $0xffff  }
0xe1: {  	v4 =	vld.idx.msk [tilespmem:v4+s1+$0x0], $0xffff  }
0xe2: {  	v5 =	vld.idx.msk [tilespmem:v5+s1+$0x0], $0xffff  }
0xe3: {  	v6 =	vld.idx.msk [tilespmem:v6+s1+$0x0], $0xffff  }
0xe4: {  	[tilespmem:s21+$0x100F0] =	vst.add.f32.msk $0xffff, v0  }
0xe5: {  	v0 =	vld.idx.msk [tilespmem:v7+s1+$0x0], $0xffff  }
0xe6: {  	[tilespmem:s21+$0x10080] =	vst.add.f32.msk $0xffff, v1  }
0xe7: {  	[tilespmem:s21+$0x10090] =	vst.add.f32.msk $0xffff, v2  }
0xe8: {  	[tilespmem:s21+$0x100A0] =	vst.add.f32.msk $0xffff, v3  }
0xe9: {  	[tilespmem:s21+$0x100B0] =	vst.add.f32.msk $0xffff, v4  }
0xea: {  	[tilespmem:s21+$0x100C0] =	vst.add.f32.msk $0xffff, v5  }
0xeb: {  	s22 =	simm.s32 $0x0;
	s24 =	simm.s32 $0x200;
	[tilespmem:s21+$0x100D0] =	vst.add.f32.msk $0xffff, v6  }
.LBB2_6:
0xec: {  	s22 =	sadd.s32 $0x8, s22;
	[tilespmem:s21+$0x100E0] =	vst.add.f32.msk $0xffff, v0;
	s21 =	sshra.s32 s24, $0x2  }
0xed: {  	v0 =	vld [tilespmem:s21+$0x40F0];
	p0 =	slt.u32 s22, $0x1F8  }
0xee: {  	v1 =	vld [tilespmem:s21+$0x4080]  }
0xef: {  	v2 =	vld [tilespmem:s21+$0x4090]  }
0xf0: {  	v3 =	vld [tilespmem:s21+$0x40A0]  }
0xf1: {  	v4 =	vld [tilespmem:s21+$0x40B0]  }
0xf2: {  	v5 =	vld [tilespmem:s21+$0x40C0]  }
0xf3: {  	v6 =	vld [tilespmem:s21+$0x40D0]  }
0xf4: {  	v7 =	vld [tilespmem:s21+$0x40E0]  }
0xf5: {  	v0 =	vld.idx.msk [tilespmem:v0+s1+$0x0], $0xffff  }
0xf6: {  	v1 =	vld.idx.msk [tilespmem:v1+s1+$0x0], $0xffff  }
0xf7: {  	v2 =	vld.idx.msk [tilespmem:v2+s1+$0x0], $0xffff  }
0xf8: {  	v3 =	vld.idx.msk [tilespmem:v3+s1+$0x0], $0xffff  }
0xf9: {  	v4 =	vld.idx.msk [tilespmem:v4+s1+$0x0], $0xffff  }
0xfa: {  	v5 =	vld.idx.msk [tilespmem:v5+s1+$0x0], $0xffff  }
0xfb: {  	[tilespmem:s21+$0x100F0] =	vst.add.f32.msk $0xffff, v0  }
0xfc: {  	v6 =	vld.idx.msk [tilespmem:v6+s1+$0x0], $0xffff  }
0xfd: {  	v0 =	vld.idx.msk [tilespmem:v7+s1+$0x0], $0xffff  }
0xfe: {  	[tilespmem:s21+$0x10080] =	vst.add.f32.msk $0xffff, v1  }
.Ltmp2:
0xff: {  	[tilespmem:s21+$0x10090] =	vst.add.f32.msk $0xffff, v2;
	(pc) =	sbr.rel @p0 .LBB2_6-.Ltmp2, $4  }
0x100: {  	[tilespmem:s21+$0x100A0] =	vst.add.f32.msk $0xffff, v3  }
0x101: {  	[tilespmem:s21+$0x100B0] =	vst.add.f32.msk $0xffff, v4  }
0x102: {  	[tilespmem:s21+$0x100C0] =	vst.add.f32.msk $0xffff, v5  }
0x103: {  	s24 =	sadd.s32 $0x200, s24;
	[tilespmem:s21+$0x100D0] =	vst.add.f32.msk $0xffff, v6  }
0x104: {  	[tilespmem:s21+$0x100E0] =	vst.add.f32.msk $0xffff, v0  }
0x105: {  	s21 =	simm.s32 $0x0;
	s22 =	rddreg [dreg:$0x12]  }
0x106: {  	[hbm4b:s22+s21] =	stream.linear.scatter [tilespmem:s28], [sflag:$0xF], $0x2000, $0x38;
	[tilespmem:$0x18080] =	vst v63  }
0x107: {  	_ =	swait.ge [sflag:s10], $0x2000  }
0x108: {  	[sflag:s10] =	ssyncset.done $0x0  }
0x109: {  	s24 =	simm.s32 $0x2080;
	s22 =	rddreg [dreg:$0x17];
	[sflag:s10] =	ssyncadd.s32 $0xFFFFE000  }
0x10a: {  	[tilespmem:s24], [sflag:$0x2] =	stream.linear.gather [hbm4b:s22+s21], $0x2000, $0x38;
	[tilespmem:$0x18080] =	vst v63  }
0x10b: {  	s24 =	rddreg [dreg:$0x18]  }
0x10c: {  	[tilespmem:s25], [sflag:$0x8] =	stream.linear.gather [hbm4b:s24+s21], $0x2000, $0x38;
	[tilespmem:$0x18080] =	vst v63  }
0x10d: {  	_ =	swait.ge [sflag:s11], $0x2000  }
0x10e: {  	[sflag:s11] =	ssyncset.done $0x0  }
0x10f: {  	[sflag:s11] =	ssyncadd.s32 $0xFFFFE000  }
0x110: {  	_ =	swait.ge [sflag:s12], $0x2000  }
0x111: {  	[sflag:s12] =	ssyncset.done $0x0  }
0x112: {  	s21 =	simm.s32 $0x0;
	[sflag:s12] =	ssyncadd.s32 $0xFFFFE000  }
0x113: {  	v0 =	vld [tilespmem:s21+$0x60F0]  }
0x114: {  	v1 =	vld [tilespmem:s21+$0x6080]  }
0x115: {  	v2 =	vld [tilespmem:s21+$0x6090]  }
0x116: {  	v3 =	vld [tilespmem:s21+$0x60A0]  }
0x117: {  	v4 =	vld [tilespmem:s21+$0x60B0]  }
0x118: {  	v5 =	vld [tilespmem:s21+$0x60C0]  }
0x119: {  	v6 =	vld [tilespmem:s21+$0x60D0]  }
0x11a: {  	v7 =	vld [tilespmem:s21+$0x60E0]  }
0x11b: {  	v0 =	vld.idx.msk [tilespmem:v0+s1+$0x0], $0xffff  }
0x11c: {  	v1 =	vld.idx.msk [tilespmem:v1+s1+$0x0], $0xffff  }
0x11d: {  	v2 =	vld.idx.msk [tilespmem:v2+s1+$0x0], $0xffff  }
0x11e: {  	v3 =	vld.idx.msk [tilespmem:v3+s1+$0x0], $0xffff  }
0x11f: {  	v4 =	vld.idx.msk [tilespmem:v4+s1+$0x0], $0xffff  }
0x120: {  	v5 =	vld.idx.msk [tilespmem:v5+s1+$0x0], $0xffff  }
0x121: {  	v6 =	vld.idx.msk [tilespmem:v6+s1+$0x0], $0xffff  }
0x122: {  	[tilespmem:s21+$0x120F0] =	vst.add.f32.msk $0xffff, v0  }
0x123: {  	v0 =	vld.idx.msk [tilespmem:v7+s1+$0x0], $0xffff  }
0x124: {  	[tilespmem:s21+$0x12080] =	vst.add.f32.msk $0xffff, v1  }
0x125: {  	[tilespmem:s21+$0x12090] =	vst.add.f32.msk $0xffff, v2  }
0x126: {  	[tilespmem:s21+$0x120A0] =	vst.add.f32.msk $0xffff, v3  }
0x127: {  	[tilespmem:s21+$0x120B0] =	vst.add.f32.msk $0xffff, v4  }
0x128: {  	[tilespmem:s21+$0x120C0] =	vst.add.f32.msk $0xffff, v5  }
0x129: {  	s22 =	simm.s32 $0x0;
	s24 =	simm.s32 $0x200;
	[tilespmem:s21+$0x120D0] =	vst.add.f32.msk $0xffff, v6  }
.LBB2_8:
0x12a: {  	s22 =	sadd.s32 $0x8, s22;
	[tilespmem:s21+$0x120E0] =	vst.add.f32.msk $0xffff, v0;
	s21 =	sshra.s32 s24, $0x2  }
0x12b: {  	v0 =	vld [tilespmem:s21+$0x60F0];
	p0 =	slt.u32 s22, $0x1F8  }
0x12c: {  	v1 =	vld [tilespmem:s21+$0x6080]  }
0x12d: {  	v2 =	vld [tilespmem:s21+$0x6090]  }
0x12e: {  	v3 =	vld [tilespmem:s21+$0x60A0]  }
0x12f: {  	v4 =	vld [tilespmem:s21+$0x60B0]  }
0x130: {  	v5 =	vld [tilespmem:s21+$0x60C0]  }
0x131: {  	v6 =	vld [tilespmem:s21+$0x60D0]  }
0x132: {  	v7 =	vld [tilespmem:s21+$0x60E0]  }
0x133: {  	v0 =	vld.idx.msk [tilespmem:v0+s1+$0x0], $0xffff  }
0x134: {  	v1 =	vld.idx.msk [tilespmem:v1+s1+$0x0], $0xffff  }
0x135: {  	v2 =	vld.idx.msk [tilespmem:v2+s1+$0x0], $0xffff  }
0x136: {  	v3 =	vld.idx.msk [tilespmem:v3+s1+$0x0], $0xffff  }
0x137: {  	v4 =	vld.idx.msk [tilespmem:v4+s1+$0x0], $0xffff  }
0x138: {  	v5 =	vld.idx.msk [tilespmem:v5+s1+$0x0], $0xffff  }
0x139: {  	[tilespmem:s21+$0x120F0] =	vst.add.f32.msk $0xffff, v0  }
0x13a: {  	v6 =	vld.idx.msk [tilespmem:v6+s1+$0x0], $0xffff  }
0x13b: {  	v0 =	vld.idx.msk [tilespmem:v7+s1+$0x0], $0xffff  }
0x13c: {  	[tilespmem:s21+$0x12080] =	vst.add.f32.msk $0xffff, v1  }
.Ltmp3:
0x13d: {  	[tilespmem:s21+$0x12090] =	vst.add.f32.msk $0xffff, v2;
	(pc) =	sbr.rel @p0 .LBB2_8-.Ltmp3, $4  }
0x13e: {  	[tilespmem:s21+$0x120A0] =	vst.add.f32.msk $0xffff, v3  }
0x13f: {  	[tilespmem:s21+$0x120B0] =	vst.add.f32.msk $0xffff, v4  }
0x140: {  	[tilespmem:s21+$0x120C0] =	vst.add.f32.msk $0xffff, v5  }
0x141: {  	s24 =	sadd.s32 $0x200, s24;
	[tilespmem:s21+$0x120D0] =	vst.add.f32.msk $0xffff, v6  }
0x142: {  	[tilespmem:s21+$0x120E0] =	vst.add.f32.msk $0xffff, v0  }
0x143: {  	s21 =	simm.s32 $0x0;
	s22 =	rddreg [dreg:$0x13]  }
0x144: {  	[hbm4b:s22+s21] =	stream.linear.scatter [tilespmem:s30], [sflag:$0x10], $0x2000, $0x38;
	[tilespmem:$0x18080] =	vst v63  }
0x145: {  	_ =	swait.ge [sflag:s4], $0x2000  }
0x146: {  	[sflag:s4] =	ssyncset.done $0x0  }
0x147: {  	s24 =	rddreg [dreg:$0x1a];
	[sflag:s4] =	ssyncadd.s32 $0xFFFFE000  }
0x148: {  	[tilespmem:s26], [sflag:$0x3] =	stream.linear.gather [hbm4b:s24+s21], $0x2000, $0x38;
	[tilespmem:$0x18080] =	vst v63  }
0x149: {  	s24 =	rddreg [dreg:$0x1b]  }
0x14a: {  	[tilespmem:s28], [sflag:$0x9] =	stream.linear.gather [hbm4b:s24+s21], $0x2000, $0x38;
	[tilespmem:$0x18080] =	vst v63  }
0x14b: {  	_ =	swait.ge [sflag:s13], $0x2000  }
0x14c: {  	[sflag:s13] =	ssyncset.done $0x0  }
0x14d: {  	[sflag:s13] =	ssyncadd.s32 $0xFFFFE000  }
0x14e: {  	_ =	swait.ge [sflag:s14], $0x2000  }
0x14f: {  	[sflag:s14] =	ssyncset.done $0x0  }
0x150: {  	s21 =	simm.s32 $0x0;
	[sflag:s14] =	ssyncadd.s32 $0xFFFFE000  }
0x151: {  	v0 =	vld [tilespmem:s21+$0x80F0]  }
0x152: {  	v1 =	vld [tilespmem:s21+$0x8080]  }
0x153: {  	v2 =	vld [tilespmem:s21+$0x8090]  }
0x154: {  	v3 =	vld [tilespmem:s21+$0x80A0]  }
0x155: {  	v4 =	vld [tilespmem:s21+$0x80B0]  }
0x156: {  	v5 =	vld [tilespmem:s21+$0x80C0]  }
0x157: {  	v6 =	vld [tilespmem:s21+$0x80D0]  }
0x158: {  	v7 =	vld [tilespmem:s21+$0x80E0]  }
0x159: {  	v0 =	vld.idx.msk [tilespmem:v0+s1+$0x0], $0xffff  }
0x15a: {  	v1 =	vld.idx.msk [tilespmem:v1+s1+$0x0], $0xffff  }
0x15b: {  	v2 =	vld.idx.msk [tilespmem:v2+s1+$0x0], $0xffff  }
0x15c: {  	v3 =	vld.idx.msk [tilespmem:v3+s1+$0x0], $0xffff  }
0x15d: {  	v4 =	vld.idx.msk [tilespmem:v4+s1+$0x0], $0xffff  }
0x15e: {  	v5 =	vld.idx.msk [tilespmem:v5+s1+$0x0], $0xffff  }
0x15f: {  	v6 =	vld.idx.msk [tilespmem:v6+s1+$0x0], $0xffff  }
0x160: {  	[tilespmem:s21+$0x140F0] =	vst.add.f32.msk $0xffff, v0  }
0x161: {  	v0 =	vld.idx.msk [tilespmem:v7+s1+$0x0], $0xffff  }
0x162: {  	[tilespmem:s21+$0x14080] =	vst.add.f32.msk $0xffff, v1  }
0x163: {  	[tilespmem:s21+$0x14090] =	vst.add.f32.msk $0xffff, v2  }
0x164: {  	[tilespmem:s21+$0x140A0] =	vst.add.f32.msk $0xffff, v3  }
0x165: {  	[tilespmem:s21+$0x140B0] =	vst.add.f32.msk $0xffff, v4  }
0x166: {  	[tilespmem:s21+$0x140C0] =	vst.add.f32.msk $0xffff, v5  }
0x167: {  	s22 =	simm.s32 $0x0;
	s24 =	simm.s32 $0x200;
	[tilespmem:s21+$0x140D0] =	vst.add.f32.msk $0xffff, v6  }
.LBB2_10:
0x168: {  	s22 =	sadd.s32 $0x8, s22;
	[tilespmem:s21+$0x140E0] =	vst.add.f32.msk $0xffff, v0;
	s21 =	sshra.s32 s24, $0x2  }
0x169: {  	v0 =	vld [tilespmem:s21+$0x80F0];
	p0 =	slt.u32 s22, $0x1F8  }
0x16a: {  	v1 =	vld [tilespmem:s21+$0x8080]  }
0x16b: {  	v2 =	vld [tilespmem:s21+$0x8090]  }
0x16c: {  	v3 =	vld [tilespmem:s21+$0x80A0]  }
0x16d: {  	v4 =	vld [tilespmem:s21+$0x80B0]  }
0x16e: {  	v5 =	vld [tilespmem:s21+$0x80C0]  }
0x16f: {  	v6 =	vld [tilespmem:s21+$0x80D0]  }
0x170: {  	v7 =	vld [tilespmem:s21+$0x80E0]  }
0x171: {  	v0 =	vld.idx.msk [tilespmem:v0+s1+$0x0], $0xffff  }
0x172: {  	v1 =	vld.idx.msk [tilespmem:v1+s1+$0x0], $0xffff  }
0x173: {  	v2 =	vld.idx.msk [tilespmem:v2+s1+$0x0], $0xffff  }
0x174: {  	v3 =	vld.idx.msk [tilespmem:v3+s1+$0x0], $0xffff  }
0x175: {  	v4 =	vld.idx.msk [tilespmem:v4+s1+$0x0], $0xffff  }
0x176: {  	v5 =	vld.idx.msk [tilespmem:v5+s1+$0x0], $0xffff  }
0x177: {  	[tilespmem:s21+$0x140F0] =	vst.add.f32.msk $0xffff, v0  }
0x178: {  	v6 =	vld.idx.msk [tilespmem:v6+s1+$0x0], $0xffff  }
0x179: {  	v0 =	vld.idx.msk [tilespmem:v7+s1+$0x0], $0xffff  }
0x17a: {  	[tilespmem:s21+$0x14080] =	vst.add.f32.msk $0xffff, v1  }
.Ltmp4:
0x17b: {  	[tilespmem:s21+$0x14090] =	vst.add.f32.msk $0xffff, v2;
	(pc) =	sbr.rel @p0 .LBB2_10-.Ltmp4, $4  }
0x17c: {  	[tilespmem:s21+$0x140A0] =	vst.add.f32.msk $0xffff, v3  }
0x17d: {  	[tilespmem:s21+$0x140B0] =	vst.add.f32.msk $0xffff, v4  }
0x17e: {  	[tilespmem:s21+$0x140C0] =	vst.add.f32.msk $0xffff, v5  }
0x17f: {  	s24 =	sadd.s32 $0x200, s24;
	[tilespmem:s21+$0x140D0] =	vst.add.f32.msk $0xffff, v6  }
0x180: {  	[tilespmem:s21+$0x140E0] =	vst.add.f32.msk $0xffff, v0  }
0x181: {  	s21 =	simm.s32 $0x0;
	s22 =	rddreg [dreg:$0x14]  }
0x182: {  	[hbm4b:s22+s21] =	stream.linear.scatter [tilespmem:s0], [sflag:$0x11], $0x2000, $0x38;
	[tilespmem:$0x18080] =	vst v63  }
0x183: {  	_ =	swait.ge [sflag:s15], $0x2000  }
0x184: {  	[sflag:s15] =	ssyncset.done $0x0  }
0x185: {  	s24 =	rddreg [dreg:$0x1d];
	[sflag:s15] =	ssyncadd.s32 $0xFFFFE000  }
0x186: {  	[tilespmem:s29], [sflag:$0x4] =	stream.linear.gather [hbm4b:s24+s21], $0x2000, $0x38;
	[tilespmem:$0x18080] =	vst v63  }
0x187: {  	s24 =	rddreg [dreg:$0x1e]  }
0x188: {  	[tilespmem:s30], [sflag:$0xA] =	stream.linear.gather [hbm4b:s24+s21], $0x2000, $0x38;
	[tilespmem:$0x18080] =	vst v63  }
0x189: {  	_ =	swait.ge [sflag:s16], $0x2000  }
0x18a: {  	[sflag:s16] =	ssyncset.done $0x0  }
0x18b: {  	[sflag:s16] =	ssyncadd.s32 $0xFFFFE000  }
0x18c: {  	_ =	swait.ge [sflag:s17], $0x2000  }
0x18d: {  	[sflag:s17] =	ssyncset.done $0x0  }
0x18e: {  	s21 =	simm.s32 $0x0;
	[sflag:s17] =	ssyncadd.s32 $0xFFFFE000  }
0x18f: {  	v0 =	vld [tilespmem:s21+$0xA0F0]  }
0x190: {  	v1 =	vld [tilespmem:s21+$0xA080]  }
0x191: {  	v2 =	vld [tilespmem:s21+$0xA090]  }
0x192: {  	v3 =	vld [tilespmem:s21+$0xA0A0]  }
0x193: {  	v4 =	vld [tilespmem:s21+$0xA0B0]  }
0x194: {  	v5 =	vld [tilespmem:s21+$0xA0C0]  }
0x195: {  	v6 =	vld [tilespmem:s21+$0xA0D0]  }
0x196: {  	v7 =	vld [tilespmem:s21+$0xA0E0]  }
0x197: {  	v0 =	vld.idx.msk [tilespmem:v0+s1+$0x0], $0xffff  }
0x198: {  	v1 =	vld.idx.msk [tilespmem:v1+s1+$0x0], $0xffff  }
0x199: {  	v2 =	vld.idx.msk [tilespmem:v2+s1+$0x0], $0xffff  }
0x19a: {  	v3 =	vld.idx.msk [tilespmem:v3+s1+$0x0], $0xffff  }
0x19b: {  	v4 =	vld.idx.msk [tilespmem:v4+s1+$0x0], $0xffff  }
0x19c: {  	v5 =	vld.idx.msk [tilespmem:v5+s1+$0x0], $0xffff  }
0x19d: {  	v6 =	vld.idx.msk [tilespmem:v6+s1+$0x0], $0xffff  }
0x19e: {  	[tilespmem:s21+$0x160F0] =	vst.add.f32.msk $0xffff, v0  }
0x19f: {  	v0 =	vld.idx.msk [tilespmem:v7+s1+$0x0], $0xffff  }
0x1a0: {  	[tilespmem:s21+$0x16080] =	vst.add.f32.msk $0xffff, v1  }
0x1a1: {  	[tilespmem:s21+$0x16090] =	vst.add.f32.msk $0xffff, v2  }
0x1a2: {  	[tilespmem:s21+$0x160A0] =	vst.add.f32.msk $0xffff, v3  }
0x1a3: {  	[tilespmem:s21+$0x160B0] =	vst.add.f32.msk $0xffff, v4  }
0x1a4: {  	[tilespmem:s21+$0x160C0] =	vst.add.f32.msk $0xffff, v5  }
0x1a5: {  	s22 =	simm.s32 $0x0;
	s24 =	simm.s32 $0x200;
	[tilespmem:s21+$0x160D0] =	vst.add.f32.msk $0xffff, v6  }
.LBB2_12:
0x1a6: {  	s22 =	sadd.s32 $0x8, s22;
	[tilespmem:s21+$0x160E0] =	vst.add.f32.msk $0xffff, v0;
	s21 =	sshra.s32 s24, $0x2  }
0x1a7: {  	v0 =	vld [tilespmem:s21+$0xA0F0];
	p0 =	slt.u32 s22, $0x1F8  }
0x1a8: {  	v1 =	vld [tilespmem:s21+$0xA080]  }
0x1a9: {  	v2 =	vld [tilespmem:s21+$0xA090]  }
0x1aa: {  	v3 =	vld [tilespmem:s21+$0xA0A0]  }
0x1ab: {  	v4 =	vld [tilespmem:s21+$0xA0B0]  }
0x1ac: {  	v5 =	vld [tilespmem:s21+$0xA0C0]  }
0x1ad: {  	v6 =	vld [tilespmem:s21+$0xA0D0]  }
0x1ae: {  	v7 =	vld [tilespmem:s21+$0xA0E0]  }
0x1af: {  	v0 =	vld.idx.msk [tilespmem:v0+s1+$0x0], $0xffff  }
0x1b0: {  	v1 =	vld.idx.msk [tilespmem:v1+s1+$0x0], $0xffff  }
0x1b1: {  	v2 =	vld.idx.msk [tilespmem:v2+s1+$0x0], $0xffff  }
0x1b2: {  	v3 =	vld.idx.msk [tilespmem:v3+s1+$0x0], $0xffff  }
0x1b3: {  	v4 =	vld.idx.msk [tilespmem:v4+s1+$0x0], $0xffff  }
0x1b4: {  	v5 =	vld.idx.msk [tilespmem:v5+s1+$0x0], $0xffff  }
0x1b5: {  	[tilespmem:s21+$0x160F0] =	vst.add.f32.msk $0xffff, v0  }
0x1b6: {  	v6 =	vld.idx.msk [tilespmem:v6+s1+$0x0], $0xffff  }
0x1b7: {  	v0 =	vld.idx.msk [tilespmem:v7+s1+$0x0], $0xffff  }
0x1b8: {  	[tilespmem:s21+$0x16080] =	vst.add.f32.msk $0xffff, v1  }
.Ltmp5:
0x1b9: {  	[tilespmem:s21+$0x16090] =	vst.add.f32.msk $0xffff, v2;
	(pc) =	sbr.rel @p0 .LBB2_12-.Ltmp5, $4  }
0x1ba: {  	[tilespmem:s21+$0x160A0] =	vst.add.f32.msk $0xffff, v3  }
0x1bb: {  	[tilespmem:s21+$0x160B0] =	vst.add.f32.msk $0xffff, v4  }
0x1bc: {  	[tilespmem:s21+$0x160C0] =	vst.add.f32.msk $0xffff, v5  }
0x1bd: {  	s24 =	sadd.s32 $0x200, s24;
	[tilespmem:s21+$0x160D0] =	vst.add.f32.msk $0xffff, v6  }
0x1be: {  	[tilespmem:s21+$0x160E0] =	vst.add.f32.msk $0xffff, v0  }
0x1bf: {  	s21 =	simm.s32 $0x0;
	s22 =	rddreg [dreg:$0x15]  }
0x1c0: {  	[hbm4b:s22+s21] =	stream.linear.scatter [tilespmem:s5], [sflag:$0x12], $0x2000, $0x38;
	[tilespmem:$0x18080] =	vst v63  }
0x1c1: {  	_ =	swait.ge [sflag:s18], $0x2000  }
0x1c2: {  	s22 =	sld [smem:$0x7E8]  }
0x1c3: {  	[sflag:s18] =	ssyncset.done $0x0  }
0x1c4: {  	s24 =	simm.s32 $0x8080;
	[sflag:s18] =	ssyncadd.s32 $0xFFFFE000  }
0x1c5: {  	[tilespmem:s24], [sflag:$0x5] =	stream.linear.gather [hbm4b:s22+s21], $0x2000, $0x38;
	[tilespmem:$0x18080] =	vst v63  }
0x1c6: {  	s24 =	sld [smem:$0x7E9];
	_ =	sdelay $0x2  }
0x1c7: {  	[tilespmem:s0], [sflag:$0xB] =	stream.linear.gather [hbm4b:s24+s21], $0x2000, $0x38;
	[tilespmem:$0x18080] =	vst v63  }
0x1c8: {  	_ =	swait.ge [sflag:s2], $0x2000  }
0x1c9: {  	[sflag:s2] =	ssyncset.done $0x0  }
0x1ca: {  	[sflag:s2] =	ssyncadd.s32 $0xFFFFE000  }
0x1cb: {  	_ =	swait.ge [sflag:s3], $0x2000  }
0x1cc: {  	[sflag:s3] =	ssyncset.done $0x0  }
0x1cd: {  	s21 =	simm.s32 $0x0;
	[sflag:s3] =	ssyncadd.s32 $0xFFFFE000  }
0x1ce: {  	v0 =	vld [tilespmem:s21+$0xF0]  }
0x1cf: {  	v1 =	vld [tilespmem:s21+$0x80]  }
0x1d0: {  	v2 =	vld [tilespmem:s21+$0x90]  }
0x1d1: {  	v3 =	vld [tilespmem:s21+$0xA0]  }
0x1d2: {  	v4 =	vld [tilespmem:s21+$0xB0]  }
0x1d3: {  	v5 =	vld [tilespmem:s21+$0xC0]  }
0x1d4: {  	v6 =	vld [tilespmem:s21+$0xD0]  }
0x1d5: {  	v7 =	vld [tilespmem:s21+$0xE0]  }
0x1d6: {  	v0 =	vld.idx.msk [tilespmem:v0+s1+$0x0], $0xffff  }
0x1d7: {  	v1 =	vld.idx.msk [tilespmem:v1+s1+$0x0], $0xffff  }
0x1d8: {  	v2 =	vld.idx.msk [tilespmem:v2+s1+$0x0], $0xffff  }
0x1d9: {  	v3 =	vld.idx.msk [tilespmem:v3+s1+$0x0], $0xffff  }
0x1da: {  	v4 =	vld.idx.msk [tilespmem:v4+s1+$0x0], $0xffff  }
0x1db: {  	v5 =	vld.idx.msk [tilespmem:v5+s1+$0x0], $0xffff  }
0x1dc: {  	v6 =	vld.idx.msk [tilespmem:v6+s1+$0x0], $0xffff  }
0x1dd: {  	[tilespmem:s21+$0xC0F0] =	vst.add.f32.msk $0xffff, v0  }
0x1de: {  	v0 =	vld.idx.msk [tilespmem:v7+s1+$0x0], $0xffff  }
0x1df: {  	[tilespmem:s21+$0xC080] =	vst.add.f32.msk $0xffff, v1  }
0x1e0: {  	[tilespmem:s21+$0xC090] =	vst.add.f32.msk $0xffff, v2  }
0x1e1: {  	[tilespmem:s21+$0xC0A0] =	vst.add.f32.msk $0xffff, v3  }
0x1e2: {  	[tilespmem:s21+$0xC0B0] =	vst.add.f32.msk $0xffff, v4  }
0x1e3: {  	[tilespmem:s21+$0xC0C0] =	vst.add.f32.msk $0xffff, v5  }
0x1e4: {  	s22 =	simm.s32 $0x0;
	s24 =	simm.s32 $0x200;
	[tilespmem:s21+$0xC0D0] =	vst.add.f32.msk $0xffff, v6  }
.LBB2_14:
0x1e5: {  	s22 =	sadd.s32 $0x8, s22;
	[tilespmem:s21+$0xC0E0] =	vst.add.f32.msk $0xffff, v0;
	s21 =	sshra.s32 s24, $0x2  }
0x1e6: {  	v0 =	vld [tilespmem:s21+$0xF0];
	p0 =	slt.u32 s22, $0x1F8  }
0x1e7: {  	v1 =	vld [tilespmem:s21+$0x80]  }
0x1e8: {  	v2 =	vld [tilespmem:s21+$0x90]  }
0x1e9: {  	v3 =	vld [tilespmem:s21+$0xA0]  }
0x1ea: {  	v4 =	vld [tilespmem:s21+$0xB0]  }
0x1eb: {  	v5 =	vld [tilespmem:s21+$0xC0]  }
0x1ec: {  	v6 =	vld [tilespmem:s21+$0xD0]  }
0x1ed: {  	v7 =	vld [tilespmem:s21+$0xE0]  }
0x1ee: {  	v0 =	vld.idx.msk [tilespmem:v0+s1+$0x0], $0xffff  }
0x1ef: {  	v1 =	vld.idx.msk [tilespmem:v1+s1+$0x0], $0xffff  }
0x1f0: {  	v2 =	vld.idx.msk [tilespmem:v2+s1+$0x0], $0xffff  }
0x1f1: {  	v3 =	vld.idx.msk [tilespmem:v3+s1+$0x0], $0xffff  }
0x1f2: {  	v4 =	vld.idx.msk [tilespmem:v4+s1+$0x0], $0xffff  }
0x1f3: {  	v5 =	vld.idx.msk [tilespmem:v5+s1+$0x0], $0xffff  }
0x1f4: {  	[tilespmem:s21+$0xC0F0] =	vst.add.f32.msk $0xffff, v0  }
0x1f5: {  	v6 =	vld.idx.msk [tilespmem:v6+s1+$0x0], $0xffff  }
0x1f6: {  	v0 =	vld.idx.msk [tilespmem:v7+s1+$0x0], $0xffff  }
0x1f7: {  	[tilespmem:s21+$0xC080] =	vst.add.f32.msk $0xffff, v1  }
.Ltmp6:
0x1f8: {  	[tilespmem:s21+$0xC090] =	vst.add.f32.msk $0xffff, v2;
	(pc) =	sbr.rel @p0 .LBB2_14-.Ltmp6, $4  }
0x1f9: {  	[tilespmem:s21+$0xC0A0] =	vst.add.f32.msk $0xffff, v3  }
0x1fa: {  	[tilespmem:s21+$0xC0B0] =	vst.add.f32.msk $0xffff, v4  }
0x1fb: {  	[tilespmem:s21+$0xC0C0] =	vst.add.f32.msk $0xffff, v5  }
0x1fc: {  	s24 =	sadd.s32 $0x200, s24;
	[tilespmem:s21+$0xC0D0] =	vst.add.f32.msk $0xffff, v6  }
0x1fd: {  	[tilespmem:s21+$0xC0E0] =	vst.add.f32.msk $0xffff, v0  }
0x1fe: {  	s21 =	simm.s32 $0x0;
	s22 =	rddreg [dreg:$0x16]  }
0x1ff: {  	[hbm4b:s22+s21] =	stream.linear.scatter [tilespmem:s23], [sflag:$0xD], $0x2000, $0x38;
	[tilespmem:$0x18080] =	vst v63  }
0x200: {  	_ =	swait.ge [sflag:s19], $0x2000  }
0x201: {  	s22 =	sld [smem:$0x7EE]  }
0x202: {  	[sflag:s19] =	ssyncset.done $0x0  }
0x203: {  	s24 =	simm.s32 $0xA080;
	[sflag:s19] =	ssyncadd.s32 $0xFFFFE000  }
0x204: {  	[tilespmem:s24], [sflag:$0x6] =	stream.linear.gather [hbm4b:s22+s21], $0x2000, $0x38;
	[tilespmem:$0x18080] =	vst v63  }
0x205: {  	s24 =	sld [smem:$0x7F3];
	_ =	sdelay $0x2  }
0x206: {  	[tilespmem:s5], [sflag:$0xC] =	stream.linear.gather [hbm4b:s24+s21], $0x2000, $0x38;
	[tilespmem:$0x18080] =	vst v63  }
0x207: {  	_ =	swait.ge [sflag:s6], $0x2000  }
0x208: {  	[sflag:s6] =	ssyncset.done $0x0  }
0x209: {  	[sflag:s6] =	ssyncadd.s32 $0xFFFFE000  }
0x20a: {  	_ =	swait.ge [sflag:s7], $0x2000  }
0x20b: {  	[sflag:s7] =	ssyncset.done $0x0  }
0x20c: {  	s21 =	simm.s32 $0x0;
	[sflag:s7] =	ssyncadd.s32 $0xFFFFE000  }
0x20d: {  	v0 =	vld [tilespmem:s21+$0x20F0]  }
0x20e: {  	v1 =	vld [tilespmem:s21+$0x2080]  }
0x20f: {  	v2 =	vld [tilespmem:s21+$0x2090]  }
0x210: {  	v3 =	vld [tilespmem:s21+$0x20A0]  }
0x211: {  	v4 =	vld [tilespmem:s21+$0x20B0]  }
0x212: {  	v5 =	vld [tilespmem:s21+$0x20C0]  }
0x213: {  	v6 =	vld [tilespmem:s21+$0x20D0]  }
0x214: {  	v7 =	vld [tilespmem:s21+$0x20E0]  }
0x215: {  	v0 =	vld.idx.msk [tilespmem:v0+s1+$0x0], $0xffff  }
0x216: {  	v1 =	vld.idx.msk [tilespmem:v1+s1+$0x0], $0xffff  }
0x217: {  	v2 =	vld.idx.msk [tilespmem:v2+s1+$0x0], $0xffff  }
0x218: {  	v3 =	vld.idx.msk [tilespmem:v3+s1+$0x0], $0xffff  }
0x219: {  	v4 =	vld.idx.msk [tilespmem:v4+s1+$0x0], $0xffff  }
0x21a: {  	v5 =	vld.idx.msk [tilespmem:v5+s1+$0x0], $0xffff  }
0x21b: {  	v6 =	vld.idx.msk [tilespmem:v6+s1+$0x0], $0xffff  }
0x21c: {  	[tilespmem:s21+$0xE0F0] =	vst.add.f32.msk $0xffff, v0  }
0x21d: {  	v0 =	vld.idx.msk [tilespmem:v7+s1+$0x0], $0xffff  }
0x21e: {  	[tilespmem:s21+$0xE080] =	vst.add.f32.msk $0xffff, v1  }
0x21f: {  	[tilespmem:s21+$0xE090] =	vst.add.f32.msk $0xffff, v2  }
0x220: {  	[tilespmem:s21+$0xE0A0] =	vst.add.f32.msk $0xffff, v3  }
0x221: {  	[tilespmem:s21+$0xE0B0] =	vst.add.f32.msk $0xffff, v4  }
0x222: {  	[tilespmem:s21+$0xE0C0] =	vst.add.f32.msk $0xffff, v5  }
0x223: {  	s22 =	simm.s32 $0x0;
	s24 =	simm.s32 $0x200;
	[tilespmem:s21+$0xE0D0] =	vst.add.f32.msk $0xffff, v6  }
.LBB2_16:
0x224: {  	s22 =	sadd.s32 $0x8, s22;
	[tilespmem:s21+$0xE0E0] =	vst.add.f32.msk $0xffff, v0;
	s21 =	sshra.s32 s24, $0x2  }
0x225: {  	v0 =	vld [tilespmem:s21+$0x20F0];
	p0 =	slt.u32 s22, $0x1F8  }
0x226: {  	v1 =	vld [tilespmem:s21+$0x2080]  }
0x227: {  	v2 =	vld [tilespmem:s21+$0x2090]  }
0x228: {  	v3 =	vld [tilespmem:s21+$0x20A0]  }
0x229: {  	v4 =	vld [tilespmem:s21+$0x20B0]  }
0x22a: {  	v5 =	vld [tilespmem:s21+$0x20C0]  }
0x22b: {  	v6 =	vld [tilespmem:s21+$0x20D0]  }
0x22c: {  	v7 =	vld [tilespmem:s21+$0x20E0]  }
0x22d: {  	v0 =	vld.idx.msk [tilespmem:v0+s1+$0x0], $0xffff  }
0x22e: {  	v1 =	vld.idx.msk [tilespmem:v1+s1+$0x0], $0xffff  }
0x22f: {  	v2 =	vld.idx.msk [tilespmem:v2+s1+$0x0], $0xffff  }
0x230: {  	v3 =	vld.idx.msk [tilespmem:v3+s1+$0x0], $0xffff  }
0x231: {  	v4 =	vld.idx.msk [tilespmem:v4+s1+$0x0], $0xffff  }
0x232: {  	v5 =	vld.idx.msk [tilespmem:v5+s1+$0x0], $0xffff  }
0x233: {  	[tilespmem:s21+$0xE0F0] =	vst.add.f32.msk $0xffff, v0  }
0x234: {  	v6 =	vld.idx.msk [tilespmem:v6+s1+$0x0], $0xffff  }
0x235: {  	v0 =	vld.idx.msk [tilespmem:v7+s1+$0x0], $0xffff  }
0x236: {  	[tilespmem:s21+$0xE080] =	vst.add.f32.msk $0xffff, v1  }
.Ltmp7:
0x237: {  	[tilespmem:s21+$0xE090] =	vst.add.f32.msk $0xffff, v2;
	(pc) =	sbr.rel @p0 .LBB2_16-.Ltmp7, $4  }
0x238: {  	[tilespmem:s21+$0xE0A0] =	vst.add.f32.msk $0xffff, v3  }
0x239: {  	[tilespmem:s21+$0xE0B0] =	vst.add.f32.msk $0xffff, v4  }
0x23a: {  	[tilespmem:s21+$0xE0C0] =	vst.add.f32.msk $0xffff, v5  }
0x23b: {  	s24 =	sadd.s32 $0x200, s24;
	[tilespmem:s21+$0xE0D0] =	vst.add.f32.msk $0xffff, v6  }
0x23c: {  	[tilespmem:s21+$0xE0E0] =	vst.add.f32.msk $0xffff, v0  }
0x23d: {  	s21 =	simm.s32 $0x0;
	s22 =	rddreg [dreg:$0x19]  }
0x23e: {  	[hbm4b:s22+s21] =	stream.linear.scatter [tilespmem:s25], [sflag:$0xE], $0x2000, $0x38;
	[tilespmem:$0x18080] =	vst v63  }
0x23f: {  	_ =	swait.ge [sflag:s8], $0x2000  }
0x240: {  	s22 =	sld [smem:$0x7EF]  }
0x241: {  	[sflag:s8] =	ssyncset.done $0x0  }
0x242: {  	s24 =	simm.s32 $0x80;
	[sflag:s8] =	ssyncadd.s32 $0xFFFFE000  }
0x243: {  	[tilespmem:s24], [sflag:$0x1] =	stream.linear.gather [hbm4b:s22+s21], $0x2000, $0x38;
	[tilespmem:$0x18080] =	vst v63  }
0x244: {  	s24 =	sld [smem:$0x7F4];
	_ =	sdelay $0x2  }
0x245: {  	[tilespmem:s23], [sflag:$0x7] =	stream.linear.gather [hbm4b:s24+s21], $0x2000, $0x38;
	[tilespmem:$0x18080] =	vst v63  }
0x246: {  	_ =	swait.ge [sflag:s31], $0x2000  }
0x247: {  	[sflag:s31] =	ssyncset.done $0x0  }
0x248: {  	[sflag:s31] =	ssyncadd.s32 $0xFFFFE000  }
0x249: {  	_ =	swait.ge [sflag:s9], $0x2000  }
0x24a: {  	[sflag:s9] =	ssyncset.done $0x0  }
0x24b: {  	s21 =	simm.s32 $0x0;
	[sflag:s9] =	ssyncadd.s32 $0xFFFFE000  }
0x24c: {  	v0 =	vld [tilespmem:s21+$0x40F0]  }
0x24d: {  	v1 =	vld [tilespmem:s21+$0x4080]  }
0x24e: {  	v2 =	vld [tilespmem:s21+$0x4090]  }
0x24f: {  	v3 =	vld [tilespmem:s21+$0x40A0]  }
0x250: {  	v4 =	vld [tilespmem:s21+$0x40B0]  }
0x251: {  	v5 =	vld [tilespmem:s21+$0x40C0]  }
0x252: {  	v6 =	vld [tilespmem:s21+$0x40D0]  }
0x253: {  	v7 =	vld [tilespmem:s21+$0x40E0]  }
0x254: {  	v0 =	vld.idx.msk [tilespmem:v0+s1+$0x0], $0xffff  }
0x255: {  	v1 =	vld.idx.msk [tilespmem:v1+s1+$0x0], $0xffff  }
0x256: {  	v2 =	vld.idx.msk [tilespmem:v2+s1+$0x0], $0xffff  }
0x257: {  	v3 =	vld.idx.msk [tilespmem:v3+s1+$0x0], $0xffff  }
0x258: {  	v4 =	vld.idx.msk [tilespmem:v4+s1+$0x0], $0xffff  }
0x259: {  	v5 =	vld.idx.msk [tilespmem:v5+s1+$0x0], $0xffff  }
0x25a: {  	v6 =	vld.idx.msk [tilespmem:v6+s1+$0x0], $0xffff  }
0x25b: {  	[tilespmem:s21+$0x100F0] =	vst.add.f32.msk $0xffff, v0  }
0x25c: {  	v0 =	vld.idx.msk [tilespmem:v7+s1+$0x0], $0xffff  }
0x25d: {  	[tilespmem:s21+$0x10080] =	vst.add.f32.msk $0xffff, v1  }
0x25e: {  	[tilespmem:s21+$0x10090] =	vst.add.f32.msk $0xffff, v2  }
0x25f: {  	[tilespmem:s21+$0x100A0] =	vst.add.f32.msk $0xffff, v3  }
0x260: {  	[tilespmem:s21+$0x100B0] =	vst.add.f32.msk $0xffff, v4  }
0x261: {  	[tilespmem:s21+$0x100C0] =	vst.add.f32.msk $0xffff, v5  }
0x262: {  	s22 =	simm.s32 $0x0;
	s24 =	simm.s32 $0x200;
	[tilespmem:s21+$0x100D0] =	vst.add.f32.msk $0xffff, v6  }
.LBB2_18:
0x263: {  	s22 =	sadd.s32 $0x8, s22;
	[tilespmem:s21+$0x100E0] =	vst.add.f32.msk $0xffff, v0;
	s21 =	sshra.s32 s24, $0x2  }
0x264: {  	v0 =	vld [tilespmem:s21+$0x40F0];
	p0 =	slt.u32 s22, $0x1F8  }
0x265: {  	v1 =	vld [tilespmem:s21+$0x4080]  }
0x266: {  	v2 =	vld [tilespmem:s21+$0x4090]  }
0x267: {  	v3 =	vld [tilespmem:s21+$0x40A0]  }
0x268: {  	v4 =	vld [tilespmem:s21+$0x40B0]  }
0x269: {  	v5 =	vld [tilespmem:s21+$0x40C0]  }
0x26a: {  	v6 =	vld [tilespmem:s21+$0x40D0]  }
0x26b: {  	v7 =	vld [tilespmem:s21+$0x40E0]  }
0x26c: {  	v0 =	vld.idx.msk [tilespmem:v0+s1+$0x0], $0xffff  }
0x26d: {  	v1 =	vld.idx.msk [tilespmem:v1+s1+$0x0], $0xffff  }
0x26e: {  	v2 =	vld.idx.msk [tilespmem:v2+s1+$0x0], $0xffff  }
0x26f: {  	v3 =	vld.idx.msk [tilespmem:v3+s1+$0x0], $0xffff  }
0x270: {  	v4 =	vld.idx.msk [tilespmem:v4+s1+$0x0], $0xffff  }
0x271: {  	v5 =	vld.idx.msk [tilespmem:v5+s1+$0x0], $0xffff  }
0x272: {  	[tilespmem:s21+$0x100F0] =	vst.add.f32.msk $0xffff, v0  }
0x273: {  	v6 =	vld.idx.msk [tilespmem:v6+s1+$0x0], $0xffff  }
0x274: {  	v0 =	vld.idx.msk [tilespmem:v7+s1+$0x0], $0xffff  }
0x275: {  	[tilespmem:s21+$0x10080] =	vst.add.f32.msk $0xffff, v1  }
.Ltmp8:
0x276: {  	[tilespmem:s21+$0x10090] =	vst.add.f32.msk $0xffff, v2;
	(pc) =	sbr.rel @p0 .LBB2_18-.Ltmp8, $4  }
0x277: {  	[tilespmem:s21+$0x100A0] =	vst.add.f32.msk $0xffff, v3  }
0x278: {  	[tilespmem:s21+$0x100B0] =	vst.add.f32.msk $0xffff, v4  }
0x279: {  	[tilespmem:s21+$0x100C0] =	vst.add.f32.msk $0xffff, v5  }
0x27a: {  	s24 =	sadd.s32 $0x200, s24;
	[tilespmem:s21+$0x100D0] =	vst.add.f32.msk $0xffff, v6  }
0x27b: {  	[tilespmem:s21+$0x100E0] =	vst.add.f32.msk $0xffff, v0  }
0x27c: {  	s21 =	simm.s32 $0x0;
	s22 =	rddreg [dreg:$0x1c]  }
0x27d: {  	[hbm4b:s22+s21] =	stream.linear.scatter [tilespmem:s28], [sflag:$0xF], $0x2000, $0x38;
	[tilespmem:$0x18080] =	vst v63  }
0x27e: {  	_ =	swait.ge [sflag:s10], $0x2000  }
0x27f: {  	s22 =	sld [smem:$0x7F0]  }
0x280: {  	[sflag:s10] =	ssyncset.done $0x0  }
0x281: {  	s24 =	simm.s32 $0x2080;
	[sflag:s10] =	ssyncadd.s32 $0xFFFFE000  }
0x282: {  	[tilespmem:s24], [sflag:$0x2] =	stream.linear.gather [hbm4b:s22+s21], $0x2000, $0x38;
	[tilespmem:$0x18080] =	vst v63  }
0x283: {  	s24 =	sld [smem:$0x7F5];
	_ =	sdelay $0x2  }
0x284: {  	[tilespmem:s25], [sflag:$0x8] =	stream.linear.gather [hbm4b:s24+s21], $0x2000, $0x38;
	[tilespmem:$0x18080] =	vst v63  }
0x285: {  	_ =	swait.ge [sflag:s11], $0x2000  }
0x286: {  	[sflag:s11] =	ssyncset.done $0x0  }
0x287: {  	[sflag:s11] =	ssyncadd.s32 $0xFFFFE000  }
0x288: {  	_ =	swait.ge [sflag:s12], $0x2000  }
0x289: {  	[sflag:s12] =	ssyncset.done $0x0  }
0x28a: {  	s21 =	simm.s32 $0x0;
	[sflag:s12] =	ssyncadd.s32 $0xFFFFE000  }
0x28b: {  	v0 =	vld [tilespmem:s21+$0x60F0]  }
0x28c: {  	v1 =	vld [tilespmem:s21+$0x6080]  }
0x28d: {  	v2 =	vld [tilespmem:s21+$0x6090]  }
0x28e: {  	v3 =	vld [tilespmem:s21+$0x60A0]  }
0x28f: {  	v4 =	vld [tilespmem:s21+$0x60B0]  }
0x290: {  	v5 =	vld [tilespmem:s21+$0x60C0]  }
0x291: {  	v6 =	vld [tilespmem:s21+$0x60D0]  }
0x292: {  	v7 =	vld [tilespmem:s21+$0x60E0]  }
0x293: {  	v0 =	vld.idx.msk [tilespmem:v0+s1+$0x0], $0xffff  }
0x294: {  	v1 =	vld.idx.msk [tilespmem:v1+s1+$0x0], $0xffff  }
0x295: {  	v2 =	vld.idx.msk [tilespmem:v2+s1+$0x0], $0xffff  }
0x296: {  	v3 =	vld.idx.msk [tilespmem:v3+s1+$0x0], $0xffff  }
0x297: {  	v4 =	vld.idx.msk [tilespmem:v4+s1+$0x0], $0xffff  }
0x298: {  	v5 =	vld.idx.msk [tilespmem:v5+s1+$0x0], $0xffff  }
0x299: {  	v6 =	vld.idx.msk [tilespmem:v6+s1+$0x0], $0xffff  }
0x29a: {  	[tilespmem:s21+$0x120F0] =	vst.add.f32.msk $0xffff, v0  }
0x29b: {  	v0 =	vld.idx.msk [tilespmem:v7+s1+$0x0], $0xffff  }
0x29c: {  	[tilespmem:s21+$0x12080] =	vst.add.f32.msk $0xffff, v1  }
0x29d: {  	[tilespmem:s21+$0x12090] =	vst.add.f32.msk $0xffff, v2  }
0x29e: {  	[tilespmem:s21+$0x120A0] =	vst.add.f32.msk $0xffff, v3  }
0x29f: {  	[tilespmem:s21+$0x120B0] =	vst.add.f32.msk $0xffff, v4  }
0x2a0: {  	[tilespmem:s21+$0x120C0] =	vst.add.f32.msk $0xffff, v5  }
0x2a1: {  	s22 =	simm.s32 $0x0;
	s24 =	simm.s32 $0x200;
	[tilespmem:s21+$0x120D0] =	vst.add.f32.msk $0xffff, v6  }
.LBB2_20:
0x2a2: {  	s22 =	sadd.s32 $0x8, s22;
	[tilespmem:s21+$0x120E0] =	vst.add.f32.msk $0xffff, v0;
	s21 =	sshra.s32 s24, $0x2  }
0x2a3: {  	v0 =	vld [tilespmem:s21+$0x60F0];
	p0 =	slt.u32 s22, $0x1F8  }
0x2a4: {  	v1 =	vld [tilespmem:s21+$0x6080]  }
0x2a5: {  	v2 =	vld [tilespmem:s21+$0x6090]  }
0x2a6: {  	v3 =	vld [tilespmem:s21+$0x60A0]  }
0x2a7: {  	v4 =	vld [tilespmem:s21+$0x60B0]  }
0x2a8: {  	v5 =	vld [tilespmem:s21+$0x60C0]  }
0x2a9: {  	v6 =	vld [tilespmem:s21+$0x60D0]  }
0x2aa: {  	v7 =	vld [tilespmem:s21+$0x60E0]  }
0x2ab: {  	v0 =	vld.idx.msk [tilespmem:v0+s1+$0x0], $0xffff  }
0x2ac: {  	v1 =	vld.idx.msk [tilespmem:v1+s1+$0x0], $0xffff  }
0x2ad: {  	v2 =	vld.idx.msk [tilespmem:v2+s1+$0x0], $0xffff  }
0x2ae: {  	v3 =	vld.idx.msk [tilespmem:v3+s1+$0x0], $0xffff  }
0x2af: {  	v4 =	vld.idx.msk [tilespmem:v4+s1+$0x0], $0xffff  }
0x2b0: {  	v5 =	vld.idx.msk [tilespmem:v5+s1+$0x0], $0xffff  }
0x2b1: {  	[tilespmem:s21+$0x120F0] =	vst.add.f32.msk $0xffff, v0  }
0x2b2: {  	v6 =	vld.idx.msk [tilespmem:v6+s1+$0x0], $0xffff  }
0x2b3: {  	v0 =	vld.idx.msk [tilespmem:v7+s1+$0x0], $0xffff  }
0x2b4: {  	[tilespmem:s21+$0x12080] =	vst.add.f32.msk $0xffff, v1  }
.Ltmp9:
0x2b5: {  	[tilespmem:s21+$0x12090] =	vst.add.f32.msk $0xffff, v2;
	(pc) =	sbr.rel @p0 .LBB2_20-.Ltmp9, $4  }
0x2b6: {  	[tilespmem:s21+$0x120A0] =	vst.add.f32.msk $0xffff, v3  }
0x2b7: {  	[tilespmem:s21+$0x120B0] =	vst.add.f32.msk $0xffff, v4  }
0x2b8: {  	[tilespmem:s21+$0x120C0] =	vst.add.f32.msk $0xffff, v5  }
0x2b9: {  	s24 =	sadd.s32 $0x200, s24;
	[tilespmem:s21+$0x120D0] =	vst.add.f32.msk $0xffff, v6  }
0x2ba: {  	[tilespmem:s21+$0x120E0] =	vst.add.f32.msk $0xffff, v0  }
0x2bb: {  	s21 =	simm.s32 $0x0;
	s22 =	rddreg [dreg:$0x1f]  }
0x2bc: {  	[hbm4b:s22+s21] =	stream.linear.scatter [tilespmem:s30], [sflag:$0x10], $0x2000, $0x38;
	[tilespmem:$0x18080] =	vst v63  }
0x2bd: {  	_ =	swait.ge [sflag:s4], $0x2000  }
0x2be: {  	s24 =	sld [smem:$0x7F1]  }
0x2bf: {  	[sflag:s4] =	ssyncset.done $0x0  }
0x2c0: {  	[sflag:s4] =	ssyncadd.s32 $0xFFFFE000  }
0x2c1: {  	[tilespmem:s26], [sflag:$0x3] =	stream.linear.gather [hbm4b:s24+s21], $0x2000, $0x38;
	[tilespmem:$0x18080] =	vst v63  }
0x2c2: {  	s24 =	sld [smem:$0x7F6];
	_ =	sdelay $0x2  }
0x2c3: {  	[tilespmem:s28], [sflag:$0x9] =	stream.linear.gather [hbm4b:s24+s21], $0x2000, $0x38;
	[tilespmem:$0x18080] =	vst v63  }
0x2c4: {  	_ =	swait.ge [sflag:s13], $0x2000  }
0x2c5: {  	[sflag:s13] =	ssyncset.done $0x0  }
0x2c6: {  	[sflag:s13] =	ssyncadd.s32 $0xFFFFE000  }
0x2c7: {  	_ =	swait.ge [sflag:s14], $0x2000  }
0x2c8: {  	[sflag:s14] =	ssyncset.done $0x0  }
0x2c9: {  	s21 =	simm.s32 $0x0;
	[sflag:s14] =	ssyncadd.s32 $0xFFFFE000  }
0x2ca: {  	v0 =	vld [tilespmem:s21+$0x80F0]  }
0x2cb: {  	v1 =	vld [tilespmem:s21+$0x8080]  }
0x2cc: {  	v2 =	vld [tilespmem:s21+$0x8090]  }
0x2cd: {  	v3 =	vld [tilespmem:s21+$0x80A0]  }
0x2ce: {  	v4 =	vld [tilespmem:s21+$0x80B0]  }
0x2cf: {  	v5 =	vld [tilespmem:s21+$0x80C0]  }
0x2d0: {  	v6 =	vld [tilespmem:s21+$0x80D0]  }
0x2d1: {  	v7 =	vld [tilespmem:s21+$0x80E0]  }
0x2d2: {  	v0 =	vld.idx.msk [tilespmem:v0+s1+$0x0], $0xffff  }
0x2d3: {  	v1 =	vld.idx.msk [tilespmem:v1+s1+$0x0], $0xffff  }
0x2d4: {  	v2 =	vld.idx.msk [tilespmem:v2+s1+$0x0], $0xffff  }
0x2d5: {  	v3 =	vld.idx.msk [tilespmem:v3+s1+$0x0], $0xffff  }
0x2d6: {  	v4 =	vld.idx.msk [tilespmem:v4+s1+$0x0], $0xffff  }
0x2d7: {  	v5 =	vld.idx.msk [tilespmem:v5+s1+$0x0], $0xffff  }
0x2d8: {  	v6 =	vld.idx.msk [tilespmem:v6+s1+$0x0], $0xffff  }
0x2d9: {  	[tilespmem:s21+$0x140F0] =	vst.add.f32.msk $0xffff, v0  }
0x2da: {  	v0 =	vld.idx.msk [tilespmem:v7+s1+$0x0], $0xffff  }
0x2db: {  	[tilespmem:s21+$0x14080] =	vst.add.f32.msk $0xffff, v1  }
0x2dc: {  	[tilespmem:s21+$0x14090] =	vst.add.f32.msk $0xffff, v2  }
0x2dd: {  	[tilespmem:s21+$0x140A0] =	vst.add.f32.msk $0xffff, v3  }
0x2de: {  	[tilespmem:s21+$0x140B0] =	vst.add.f32.msk $0xffff, v4  }
0x2df: {  	[tilespmem:s21+$0x140C0] =	vst.add.f32.msk $0xffff, v5  }
0x2e0: {  	s22 =	simm.s32 $0x0;
	s24 =	simm.s32 $0x200;
	[tilespmem:s21+$0x140D0] =	vst.add.f32.msk $0xffff, v6  }
.LBB2_22:
0x2e1: {  	s22 =	sadd.s32 $0x8, s22;
	[tilespmem:s21+$0x140E0] =	vst.add.f32.msk $0xffff, v0;
	s21 =	sshra.s32 s24, $0x2  }
0x2e2: {  	v0 =	vld [tilespmem:s21+$0x80F0];
	p0 =	slt.u32 s22, $0x1F8  }
0x2e3: {  	v1 =	vld [tilespmem:s21+$0x8080]  }
0x2e4: {  	v2 =	vld [tilespmem:s21+$0x8090]  }
0x2e5: {  	v3 =	vld [tilespmem:s21+$0x80A0]  }
0x2e6: {  	v4 =	vld [tilespmem:s21+$0x80B0]  }
0x2e7: {  	v5 =	vld [tilespmem:s21+$0x80C0]  }
0x2e8: {  	v6 =	vld [tilespmem:s21+$0x80D0]  }
0x2e9: {  	v7 =	vld [tilespmem:s21+$0x80E0]  }
0x2ea: {  	v0 =	vld.idx.msk [tilespmem:v0+s1+$0x0], $0xffff  }
0x2eb: {  	v1 =	vld.idx.msk [tilespmem:v1+s1+$0x0], $0xffff  }
0x2ec: {  	v2 =	vld.idx.msk [tilespmem:v2+s1+$0x0], $0xffff  }
0x2ed: {  	v3 =	vld.idx.msk [tilespmem:v3+s1+$0x0], $0xffff  }
0x2ee: {  	v4 =	vld.idx.msk [tilespmem:v4+s1+$0x0], $0xffff  }
0x2ef: {  	v5 =	vld.idx.msk [tilespmem:v5+s1+$0x0], $0xffff  }
0x2f0: {  	[tilespmem:s21+$0x140F0] =	vst.add.f32.msk $0xffff, v0  }
0x2f1: {  	v6 =	vld.idx.msk [tilespmem:v6+s1+$0x0], $0xffff  }
0x2f2: {  	v0 =	vld.idx.msk [tilespmem:v7+s1+$0x0], $0xffff  }
0x2f3: {  	[tilespmem:s21+$0x14080] =	vst.add.f32.msk $0xffff, v1  }
.Ltmp10:
0x2f4: {  	[tilespmem:s21+$0x14090] =	vst.add.f32.msk $0xffff, v2;
	(pc) =	sbr.rel @p0 .LBB2_22-.Ltmp10, $4  }
0x2f5: {  	[tilespmem:s21+$0x140A0] =	vst.add.f32.msk $0xffff, v3  }
0x2f6: {  	[tilespmem:s21+$0x140B0] =	vst.add.f32.msk $0xffff, v4  }
0x2f7: {  	[tilespmem:s21+$0x140C0] =	vst.add.f32.msk $0xffff, v5  }
0x2f8: {  	s24 =	sadd.s32 $0x200, s24;
	[tilespmem:s21+$0x140D0] =	vst.add.f32.msk $0xffff, v6  }
0x2f9: {  	[tilespmem:s21+$0x140E0] =	vst.add.f32.msk $0xffff, v0  }
0x2fa: {  	s22 =	sld [smem:$0x7EA];
	_ =	sdelay $0x1  }
0x2fb: {  	s21 =	simm.s32 $0x0  }
0x2fc: {  	[hbm4b:s22+s21] =	stream.linear.scatter [tilespmem:s0], [sflag:$0x11], $0x2000, $0x38;
	[tilespmem:$0x18080] =	vst v63  }
0x2fd: {  	_ =	swait.ge [sflag:s15], $0x2000  }
0x2fe: {  	s24 =	sld [smem:$0x7F2]  }
0x2ff: {  	[sflag:s15] =	ssyncset.done $0x0  }
0x300: {  	[sflag:s15] =	ssyncadd.s32 $0xFFFFE000  }
0x301: {  	[tilespmem:s29], [sflag:$0x4] =	stream.linear.gather [hbm4b:s24+s21], $0x2000, $0x38;
	[tilespmem:$0x18080] =	vst v63  }
0x302: {  	s24 =	sld [smem:$0x7F7];
	_ =	sdelay $0x2  }
0x303: {  	[tilespmem:s30], [sflag:$0xA] =	stream.linear.gather [hbm4b:s24+s21], $0x2000, $0x38;
	[tilespmem:$0x18080] =	vst v63  }
0x304: {  	_ =	swait.ge [sflag:s16], $0x2000  }
0x305: {  	[sflag:s16] =	ssyncset.done $0x0  }
0x306: {  	[sflag:s16] =	ssyncadd.s32 $0xFFFFE000  }
0x307: {  	_ =	swait.ge [sflag:s17], $0x2000  }
0x308: {  	[sflag:s17] =	ssyncset.done $0x0  }
0x309: {  	s21 =	simm.s32 $0x0;
	[sflag:s17] =	ssyncadd.s32 $0xFFFFE000  }
0x30a: {  	v0 =	vld [tilespmem:s21+$0xA0F0]  }
0x30b: {  	v1 =	vld [tilespmem:s21+$0xA080]  }
0x30c: {  	v2 =	vld [tilespmem:s21+$0xA090]  }
0x30d: {  	v3 =	vld [tilespmem:s21+$0xA0A0]  }
0x30e: {  	v4 =	vld [tilespmem:s21+$0xA0B0]  }
0x30f: {  	v5 =	vld [tilespmem:s21+$0xA0C0]  }
0x310: {  	v6 =	vld [tilespmem:s21+$0xA0D0]  }
0x311: {  	v7 =	vld [tilespmem:s21+$0xA0E0]  }
0x312: {  	v0 =	vld.idx.msk [tilespmem:v0+s1+$0x0], $0xffff  }
0x313: {  	v1 =	vld.idx.msk [tilespmem:v1+s1+$0x0], $0xffff  }
0x314: {  	v2 =	vld.idx.msk [tilespmem:v2+s1+$0x0], $0xffff  }
0x315: {  	v3 =	vld.idx.msk [tilespmem:v3+s1+$0x0], $0xffff  }
0x316: {  	v4 =	vld.idx.msk [tilespmem:v4+s1+$0x0], $0xffff  }
0x317: {  	v5 =	vld.idx.msk [tilespmem:v5+s1+$0x0], $0xffff  }
0x318: {  	v6 =	vld.idx.msk [tilespmem:v6+s1+$0x0], $0xffff  }
0x319: {  	[tilespmem:s21+$0x160F0] =	vst.add.f32.msk $0xffff, v0  }
0x31a: {  	v0 =	vld.idx.msk [tilespmem:v7+s1+$0x0], $0xffff  }
0x31b: {  	[tilespmem:s21+$0x16080] =	vst.add.f32.msk $0xffff, v1  }
0x31c: {  	[tilespmem:s21+$0x16090] =	vst.add.f32.msk $0xffff, v2  }
0x31d: {  	[tilespmem:s21+$0x160A0] =	vst.add.f32.msk $0xffff, v3  }
0x31e: {  	[tilespmem:s21+$0x160B0] =	vst.add.f32.msk $0xffff, v4  }
0x31f: {  	[tilespmem:s21+$0x160C0] =	vst.add.f32.msk $0xffff, v5  }
0x320: {  	s22 =	simm.s32 $0x0;
	s24 =	simm.s32 $0x200;
	[tilespmem:s21+$0x160D0] =	vst.add.f32.msk $0xffff, v6  }
.LBB2_24:
0x321: {  	s22 =	sadd.s32 $0x8, s22;
	[tilespmem:s21+$0x160E0] =	vst.add.f32.msk $0xffff, v0;
	s21 =	sshra.s32 s24, $0x2  }
0x322: {  	v0 =	vld [tilespmem:s21+$0xA0F0];
	p0 =	slt.u32 s22, $0x1F8  }
0x323: {  	v1 =	vld [tilespmem:s21+$0xA080]  }
0x324: {  	v2 =	vld [tilespmem:s21+$0xA090]  }
0x325: {  	v3 =	vld [tilespmem:s21+$0xA0A0]  }
0x326: {  	v4 =	vld [tilespmem:s21+$0xA0B0]  }
0x327: {  	v5 =	vld [tilespmem:s21+$0xA0C0]  }
0x328: {  	v6 =	vld [tilespmem:s21+$0xA0D0]  }
0x329: {  	v7 =	vld [tilespmem:s21+$0xA0E0]  }
0x32a: {  	v0 =	vld.idx.msk [tilespmem:v0+s1+$0x0], $0xffff  }
0x32b: {  	v1 =	vld.idx.msk [tilespmem:v1+s1+$0x0], $0xffff  }
0x32c: {  	v2 =	vld.idx.msk [tilespmem:v2+s1+$0x0], $0xffff  }
0x32d: {  	v3 =	vld.idx.msk [tilespmem:v3+s1+$0x0], $0xffff  }
0x32e: {  	v4 =	vld.idx.msk [tilespmem:v4+s1+$0x0], $0xffff  }
0x32f: {  	v5 =	vld.idx.msk [tilespmem:v5+s1+$0x0], $0xffff  }
0x330: {  	[tilespmem:s21+$0x160F0] =	vst.add.f32.msk $0xffff, v0  }
0x331: {  	v6 =	vld.idx.msk [tilespmem:v6+s1+$0x0], $0xffff  }
0x332: {  	v0 =	vld.idx.msk [tilespmem:v7+s1+$0x0], $0xffff  }
0x333: {  	[tilespmem:s21+$0x16080] =	vst.add.f32.msk $0xffff, v1  }
.Ltmp11:
0x334: {  	[tilespmem:s21+$0x16090] =	vst.add.f32.msk $0xffff, v2;
	(pc) =	sbr.rel @p0 .LBB2_24-.Ltmp11, $4  }
0x335: {  	[tilespmem:s21+$0x160A0] =	vst.add.f32.msk $0xffff, v3  }
0x336: {  	[tilespmem:s21+$0x160B0] =	vst.add.f32.msk $0xffff, v4  }
0x337: {  	[tilespmem:s21+$0x160C0] =	vst.add.f32.msk $0xffff, v5  }
0x338: {  	s24 =	sadd.s32 $0x200, s24;
	[tilespmem:s21+$0x160D0] =	vst.add.f32.msk $0xffff, v6  }
0x339: {  	[tilespmem:s21+$0x160E0] =	vst.add.f32.msk $0xffff, v0  }
0x33a: {  	s22 =	sld [smem:$0x7F8];
	_ =	sdelay $0x1  }
0x33b: {  	s24 =	simm.s32 $0x0  }
0x33c: {  	[hbm4b:s22+s24] =	stream.linear.scatter [tilespmem:s5], [sflag:$0x12], $0x2000, $0x38;
	[tilespmem:$0x18080] =	vst v63  }
0x33d: {  	_ =	swait.ge [sflag:s2], $0x2000  }
0x33e: {  	[sflag:s2] =	ssyncset.done $0x0  }
0x33f: {  	[sflag:s2] =	ssyncadd.s32 $0xFFFFE000  }
0x340: {  	_ =	swait.ge [sflag:s3], $0x2000  }
0x341: {  	[sflag:s3] =	ssyncset.done $0x0  }
0x342: {  	s21 =	simm.s32 $0x0;
	[sflag:s3] =	ssyncadd.s32 $0xFFFFE000  }
0x343: {  	v0 =	vld [tilespmem:s21+$0xF0]  }
0x344: {  	v1 =	vld [tilespmem:s21+$0x80]  }
0x345: {  	v2 =	vld [tilespmem:s21+$0x90]  }
0x346: {  	v3 =	vld [tilespmem:s21+$0xA0]  }
0x347: {  	v4 =	vld [tilespmem:s21+$0xB0]  }
0x348: {  	v5 =	vld [tilespmem:s21+$0xC0]  }
0x349: {  	v6 =	vld [tilespmem:s21+$0xD0]  }
0x34a: {  	v7 =	vld [tilespmem:s21+$0xE0]  }
0x34b: {  	v0 =	vld.idx.msk [tilespmem:v0+s1+$0x0], $0xffff  }
0x34c: {  	v1 =	vld.idx.msk [tilespmem:v1+s1+$0x0], $0xffff  }
0x34d: {  	v2 =	vld.idx.msk [tilespmem:v2+s1+$0x0], $0xffff  }
0x34e: {  	v3 =	vld.idx.msk [tilespmem:v3+s1+$0x0], $0xffff  }
0x34f: {  	v4 =	vld.idx.msk [tilespmem:v4+s1+$0x0], $0xffff  }
0x350: {  	v5 =	vld.idx.msk [tilespmem:v5+s1+$0x0], $0xffff  }
0x351: {  	v6 =	vld.idx.msk [tilespmem:v6+s1+$0x0], $0xffff  }
0x352: {  	[tilespmem:s21+$0xC0F0] =	vst.add.f32.msk $0xffff, v0  }
0x353: {  	v0 =	vld.idx.msk [tilespmem:v7+s1+$0x0], $0xffff  }
0x354: {  	[tilespmem:s21+$0xC080] =	vst.add.f32.msk $0xffff, v1  }
0x355: {  	[tilespmem:s21+$0xC090] =	vst.add.f32.msk $0xffff, v2  }
0x356: {  	[tilespmem:s21+$0xC0A0] =	vst.add.f32.msk $0xffff, v3  }
0x357: {  	[tilespmem:s21+$0xC0B0] =	vst.add.f32.msk $0xffff, v4  }
0x358: {  	[tilespmem:s21+$0xC0C0] =	vst.add.f32.msk $0xffff, v5  }
0x359: {  	s22 =	simm.s32 $0x0;
	s24 =	simm.s32 $0x200;
	[tilespmem:s21+$0xC0D0] =	vst.add.f32.msk $0xffff, v6  }
.LBB2_26:
0x35a: {  	s22 =	sadd.s32 $0x8, s22;
	[tilespmem:s21+$0xC0E0] =	vst.add.f32.msk $0xffff, v0;
	s21 =	sshra.s32 s24, $0x2  }
0x35b: {  	v0 =	vld [tilespmem:s21+$0xF0];
	p0 =	slt.u32 s22, $0x1F8  }
0x35c: {  	v1 =	vld [tilespmem:s21+$0x80]  }
0x35d: {  	v2 =	vld [tilespmem:s21+$0x90]  }
0x35e: {  	v3 =	vld [tilespmem:s21+$0xA0]  }
0x35f: {  	v4 =	vld [tilespmem:s21+$0xB0]  }
0x360: {  	v5 =	vld [tilespmem:s21+$0xC0]  }
0x361: {  	v6 =	vld [tilespmem:s21+$0xD0]  }
0x362: {  	v7 =	vld [tilespmem:s21+$0xE0]  }
0x363: {  	v0 =	vld.idx.msk [tilespmem:v0+s1+$0x0], $0xffff  }
0x364: {  	v1 =	vld.idx.msk [tilespmem:v1+s1+$0x0], $0xffff  }
0x365: {  	v2 =	vld.idx.msk [tilespmem:v2+s1+$0x0], $0xffff  }
0x366: {  	v3 =	vld.idx.msk [tilespmem:v3+s1+$0x0], $0xffff  }
0x367: {  	v4 =	vld.idx.msk [tilespmem:v4+s1+$0x0], $0xffff  }
0x368: {  	v5 =	vld.idx.msk [tilespmem:v5+s1+$0x0], $0xffff  }
0x369: {  	[tilespmem:s21+$0xC0F0] =	vst.add.f32.msk $0xffff, v0  }
0x36a: {  	v6 =	vld.idx.msk [tilespmem:v6+s1+$0x0], $0xffff  }
0x36b: {  	v0 =	vld.idx.msk [tilespmem:v7+s1+$0x0], $0xffff  }
0x36c: {  	[tilespmem:s21+$0xC080] =	vst.add.f32.msk $0xffff, v1  }
.Ltmp12:
0x36d: {  	[tilespmem:s21+$0xC090] =	vst.add.f32.msk $0xffff, v2;
	(pc) =	sbr.rel @p0 .LBB2_26-.Ltmp12, $4  }
0x36e: {  	[tilespmem:s21+$0xC0A0] =	vst.add.f32.msk $0xffff, v3  }
0x36f: {  	[tilespmem:s21+$0xC0B0] =	vst.add.f32.msk $0xffff, v4  }
0x370: {  	[tilespmem:s21+$0xC0C0] =	vst.add.f32.msk $0xffff, v5  }
0x371: {  	s24 =	sadd.s32 $0x200, s24;
	[tilespmem:s21+$0xC0D0] =	vst.add.f32.msk $0xffff, v6  }
0x372: {  	[tilespmem:s21+$0xC0E0] =	vst.add.f32.msk $0xffff, v0  }
0x373: {  	s22 =	sld [smem:$0x7F9];
	_ =	sdelay $0x1  }
0x374: {  	s24 =	simm.s32 $0x0  }
0x375: {  	[hbm4b:s22+s24] =	stream.linear.scatter [tilespmem:s23], [sflag:$0xD], $0x2000, $0x38;
	[tilespmem:$0x18080] =	vst v63  }
0x376: {  	_ =	swait.ge [sflag:s6], $0x2000  }
0x377: {  	[sflag:s6] =	ssyncset.done $0x0  }
0x378: {  	[sflag:s6] =	ssyncadd.s32 $0xFFFFE000  }
0x379: {  	_ =	swait.ge [sflag:s7], $0x2000  }
0x37a: {  	[sflag:s7] =	ssyncset.done $0x0  }
0x37b: {  	s21 =	simm.s32 $0x0;
	[sflag:s7] =	ssyncadd.s32 $0xFFFFE000  }
0x37c: {  	v0 =	vld [tilespmem:s21+$0x20F0]  }
0x37d: {  	v1 =	vld [tilespmem:s21+$0x2080]  }
0x37e: {  	v2 =	vld [tilespmem:s21+$0x2090]  }
0x37f: {  	v3 =	vld [tilespmem:s21+$0x20A0]  }
0x380: {  	v4 =	vld [tilespmem:s21+$0x20B0]  }
0x381: {  	v5 =	vld [tilespmem:s21+$0x20C0]  }
0x382: {  	v6 =	vld [tilespmem:s21+$0x20D0]  }
0x383: {  	v7 =	vld [tilespmem:s21+$0x20E0]  }
0x384: {  	v0 =	vld.idx.msk [tilespmem:v0+s1+$0x0], $0xffff  }
0x385: {  	v1 =	vld.idx.msk [tilespmem:v1+s1+$0x0], $0xffff  }
0x386: {  	v2 =	vld.idx.msk [tilespmem:v2+s1+$0x0], $0xffff  }
0x387: {  	v3 =	vld.idx.msk [tilespmem:v3+s1+$0x0], $0xffff  }
0x388: {  	v4 =	vld.idx.msk [tilespmem:v4+s1+$0x0], $0xffff  }
0x389: {  	v5 =	vld.idx.msk [tilespmem:v5+s1+$0x0], $0xffff  }
0x38a: {  	v6 =	vld.idx.msk [tilespmem:v6+s1+$0x0], $0xffff  }
0x38b: {  	[tilespmem:s21+$0xE0F0] =	vst.add.f32.msk $0xffff, v0  }
0x38c: {  	v0 =	vld.idx.msk [tilespmem:v7+s1+$0x0], $0xffff  }
0x38d: {  	[tilespmem:s21+$0xE080] =	vst.add.f32.msk $0xffff, v1  }
0x38e: {  	[tilespmem:s21+$0xE090] =	vst.add.f32.msk $0xffff, v2  }
0x38f: {  	[tilespmem:s21+$0xE0A0] =	vst.add.f32.msk $0xffff, v3  }
0x390: {  	[tilespmem:s21+$0xE0B0] =	vst.add.f32.msk $0xffff, v4  }
0x391: {  	[tilespmem:s21+$0xE0C0] =	vst.add.f32.msk $0xffff, v5  }
0x392: {  	s22 =	simm.s32 $0x0;
	s24 =	simm.s32 $0x200;
	[tilespmem:s21+$0xE0D0] =	vst.add.f32.msk $0xffff, v6  }
.LBB2_28:
0x393: {  	s22 =	sadd.s32 $0x8, s22;
	[tilespmem:s21+$0xE0E0] =	vst.add.f32.msk $0xffff, v0;
	s21 =	sshra.s32 s24, $0x2  }
0x394: {  	v0 =	vld [tilespmem:s21+$0x20F0];
	p0 =	slt.u32 s22, $0x1F8  }
0x395: {  	v1 =	vld [tilespmem:s21+$0x2080]  }
0x396: {  	v2 =	vld [tilespmem:s21+$0x2090]  }
0x397: {  	v3 =	vld [tilespmem:s21+$0x20A0]  }
0x398: {  	v4 =	vld [tilespmem:s21+$0x20B0]  }
0x399: {  	v5 =	vld [tilespmem:s21+$0x20C0]  }
0x39a: {  	v6 =	vld [tilespmem:s21+$0x20D0]  }
0x39b: {  	v7 =	vld [tilespmem:s21+$0x20E0]  }
0x39c: {  	v0 =	vld.idx.msk [tilespmem:v0+s1+$0x0], $0xffff  }
0x39d: {  	v1 =	vld.idx.msk [tilespmem:v1+s1+$0x0], $0xffff  }
0x39e: {  	v2 =	vld.idx.msk [tilespmem:v2+s1+$0x0], $0xffff  }
0x39f: {  	v3 =	vld.idx.msk [tilespmem:v3+s1+$0x0], $0xffff  }
0x3a0: {  	v4 =	vld.idx.msk [tilespmem:v4+s1+$0x0], $0xffff  }
0x3a1: {  	v5 =	vld.idx.msk [tilespmem:v5+s1+$0x0], $0xffff  }
0x3a2: {  	[tilespmem:s21+$0xE0F0] =	vst.add.f32.msk $0xffff, v0  }
0x3a3: {  	v6 =	vld.idx.msk [tilespmem:v6+s1+$0x0], $0xffff  }
0x3a4: {  	v0 =	vld.idx.msk [tilespmem:v7+s1+$0x0], $0xffff  }
0x3a5: {  	[tilespmem:s21+$0xE080] =	vst.add.f32.msk $0xffff, v1  }
.Ltmp13:
0x3a6: {  	[tilespmem:s21+$0xE090] =	vst.add.f32.msk $0xffff, v2;
	(pc) =	sbr.rel @p0 .LBB2_28-.Ltmp13, $4  }
0x3a7: {  	[tilespmem:s21+$0xE0A0] =	vst.add.f32.msk $0xffff, v3  }
0x3a8: {  	[tilespmem:s21+$0xE0B0] =	vst.add.f32.msk $0xffff, v4  }
0x3a9: {  	[tilespmem:s21+$0xE0C0] =	vst.add.f32.msk $0xffff, v5  }
0x3aa: {  	s24 =	sadd.s32 $0x200, s24;
	[tilespmem:s21+$0xE0D0] =	vst.add.f32.msk $0xffff, v6  }
0x3ab: {  	[tilespmem:s21+$0xE0E0] =	vst.add.f32.msk $0xffff, v0  }
0x3ac: {  	s22 =	sld [smem:$0x7FA];
	_ =	sdelay $0x1  }
0x3ad: {  	s24 =	simm.s32 $0x0  }
0x3ae: {  	[hbm4b:s22+s24] =	stream.linear.scatter [tilespmem:s25], [sflag:$0xE], $0x2000, $0x38;
	[tilespmem:$0x18080] =	vst v63  }
0x3af: {  	_ =	swait.ge [sflag:s31], $0x2000  }
0x3b0: {  	[sflag:s31] =	ssyncset.done $0x0  }
0x3b1: {  	[sflag:s31] =	ssyncadd.s32 $0xFFFFE000  }
0x3b2: {  	_ =	swait.ge [sflag:s9], $0x2000  }
0x3b3: {  	[sflag:s9] =	ssyncset.done $0x0  }
0x3b4: {  	s21 =	simm.s32 $0x0;
	[sflag:s9] =	ssyncadd.s32 $0xFFFFE000  }
0x3b5: {  	v0 =	vld [tilespmem:s21+$0x40F0]  }
0x3b6: {  	v1 =	vld [tilespmem:s21+$0x4080]  }
0x3b7: {  	v2 =	vld [tilespmem:s21+$0x4090]  }
0x3b8: {  	v3 =	vld [tilespmem:s21+$0x40A0]  }
0x3b9: {  	v4 =	vld [tilespmem:s21+$0x40B0]  }
0x3ba: {  	v5 =	vld [tilespmem:s21+$0x40C0]  }
0x3bb: {  	v6 =	vld [tilespmem:s21+$0x40D0]  }
0x3bc: {  	v7 =	vld [tilespmem:s21+$0x40E0]  }
0x3bd: {  	v0 =	vld.idx.msk [tilespmem:v0+s1+$0x0], $0xffff  }
0x3be: {  	v1 =	vld.idx.msk [tilespmem:v1+s1+$0x0], $0xffff  }
0x3bf: {  	v2 =	vld.idx.msk [tilespmem:v2+s1+$0x0], $0xffff  }
0x3c0: {  	v3 =	vld.idx.msk [tilespmem:v3+s1+$0x0], $0xffff  }
0x3c1: {  	v4 =	vld.idx.msk [tilespmem:v4+s1+$0x0], $0xffff  }
0x3c2: {  	v5 =	vld.idx.msk [tilespmem:v5+s1+$0x0], $0xffff  }
0x3c3: {  	v6 =	vld.idx.msk [tilespmem:v6+s1+$0x0], $0xffff  }
0x3c4: {  	[tilespmem:s21+$0x100F0] =	vst.add.f32.msk $0xffff, v0  }
0x3c5: {  	v0 =	vld.idx.msk [tilespmem:v7+s1+$0x0], $0xffff  }
0x3c6: {  	[tilespmem:s21+$0x10080] =	vst.add.f32.msk $0xffff, v1  }
0x3c7: {  	[tilespmem:s21+$0x10090] =	vst.add.f32.msk $0xffff, v2  }
0x3c8: {  	[tilespmem:s21+$0x100A0] =	vst.add.f32.msk $0xffff, v3  }
0x3c9: {  	[tilespmem:s21+$0x100B0] =	vst.add.f32.msk $0xffff, v4  }
0x3ca: {  	[tilespmem:s21+$0x100C0] =	vst.add.f32.msk $0xffff, v5  }
0x3cb: {  	s22 =	simm.s32 $0x0;
	s24 =	simm.s32 $0x200;
	[tilespmem:s21+$0x100D0] =	vst.add.f32.msk $0xffff, v6  }
.LBB2_30:
0x3cc: {  	s22 =	sadd.s32 $0x8, s22;
	[tilespmem:s21+$0x100E0] =	vst.add.f32.msk $0xffff, v0;
	s21 =	sshra.s32 s24, $0x2  }
0x3cd: {  	v0 =	vld [tilespmem:s21+$0x40F0];
	p0 =	slt.u32 s22, $0x1F8  }
0x3ce: {  	v1 =	vld [tilespmem:s21+$0x4080]  }
0x3cf: {  	v2 =	vld [tilespmem:s21+$0x4090]  }
0x3d0: {  	v3 =	vld [tilespmem:s21+$0x40A0]  }
0x3d1: {  	v4 =	vld [tilespmem:s21+$0x40B0]  }
0x3d2: {  	v5 =	vld [tilespmem:s21+$0x40C0]  }
0x3d3: {  	v6 =	vld [tilespmem:s21+$0x40D0]  }
0x3d4: {  	v7 =	vld [tilespmem:s21+$0x40E0]  }
0x3d5: {  	v0 =	vld.idx.msk [tilespmem:v0+s1+$0x0], $0xffff  }
0x3d6: {  	v1 =	vld.idx.msk [tilespmem:v1+s1+$0x0], $0xffff  }
0x3d7: {  	v2 =	vld.idx.msk [tilespmem:v2+s1+$0x0], $0xffff  }
0x3d8: {  	v3 =	vld.idx.msk [tilespmem:v3+s1+$0x0], $0xffff  }
0x3d9: {  	v4 =	vld.idx.msk [tilespmem:v4+s1+$0x0], $0xffff  }
0x3da: {  	v5 =	vld.idx.msk [tilespmem:v5+s1+$0x0], $0xffff  }
0x3db: {  	[tilespmem:s21+$0x100F0] =	vst.add.f32.msk $0xffff, v0  }
0x3dc: {  	v6 =	vld.idx.msk [tilespmem:v6+s1+$0x0], $0xffff  }
0x3dd: {  	v0 =	vld.idx.msk [tilespmem:v7+s1+$0x0], $0xffff  }
0x3de: {  	[tilespmem:s21+$0x10080] =	vst.add.f32.msk $0xffff, v1  }
.Ltmp14:
0x3df: {  	[tilespmem:s21+$0x10090] =	vst.add.f32.msk $0xffff, v2;
	(pc) =	sbr.rel @p0 .LBB2_30-.Ltmp14, $4  }
0x3e0: {  	[tilespmem:s21+$0x100A0] =	vst.add.f32.msk $0xffff, v3  }
0x3e1: {  	[tilespmem:s21+$0x100B0] =	vst.add.f32.msk $0xffff, v4  }
0x3e2: {  	[tilespmem:s21+$0x100C0] =	vst.add.f32.msk $0xffff, v5  }
0x3e3: {  	s24 =	sadd.s32 $0x200, s24;
	[tilespmem:s21+$0x100D0] =	vst.add.f32.msk $0xffff, v6  }
0x3e4: {  	[tilespmem:s21+$0x100E0] =	vst.add.f32.msk $0xffff, v0  }
0x3e5: {  	s22 =	sld [smem:$0x7FB];
	_ =	sdelay $0x1  }
0x3e6: {  	s24 =	simm.s32 $0x0  }
0x3e7: {  	[hbm4b:s22+s24] =	stream.linear.scatter [tilespmem:s28], [sflag:$0xF], $0x2000, $0x38;
	[tilespmem:$0x18080] =	vst v63  }
0x3e8: {  	_ =	swait.ge [sflag:s11], $0x2000  }
0x3e9: {  	[sflag:s11] =	ssyncset.done $0x0  }
0x3ea: {  	[sflag:s11] =	ssyncadd.s32 $0xFFFFE000  }
0x3eb: {  	_ =	swait.ge [sflag:s12], $0x2000  }
0x3ec: {  	[sflag:s12] =	ssyncset.done $0x0  }
0x3ed: {  	s21 =	simm.s32 $0x0;
	[sflag:s12] =	ssyncadd.s32 $0xFFFFE000  }
0x3ee: {  	v0 =	vld [tilespmem:s21+$0x60F0]  }
0x3ef: {  	v1 =	vld [tilespmem:s21+$0x6080]  }
0x3f0: {  	v2 =	vld [tilespmem:s21+$0x6090]  }
0x3f1: {  	v3 =	vld [tilespmem:s21+$0x60A0]  }
0x3f2: {  	v4 =	vld [tilespmem:s21+$0x60B0]  }
0x3f3: {  	v5 =	vld [tilespmem:s21+$0x60C0]  }
0x3f4: {  	v6 =	vld [tilespmem:s21+$0x60D0]  }
0x3f5: {  	v7 =	vld [tilespmem:s21+$0x60E0]  }
0x3f6: {  	v0 =	vld.idx.msk [tilespmem:v0+s1+$0x0], $0xffff  }
0x3f7: {  	v1 =	vld.idx.msk [tilespmem:v1+s1+$0x0], $0xffff  }
0x3f8: {  	v2 =	vld.idx.msk [tilespmem:v2+s1+$0x0], $0xffff  }
0x3f9: {  	v3 =	vld.idx.msk [tilespmem:v3+s1+$0x0], $0xffff  }
0x3fa: {  	v4 =	vld.idx.msk [tilespmem:v4+s1+$0x0], $0xffff  }
0x3fb: {  	v5 =	vld.idx.msk [tilespmem:v5+s1+$0x0], $0xffff  }
0x3fc: {  	v6 =	vld.idx.msk [tilespmem:v6+s1+$0x0], $0xffff  }
0x3fd: {  	[tilespmem:s21+$0x120F0] =	vst.add.f32.msk $0xffff, v0  }
0x3fe: {  	v0 =	vld.idx.msk [tilespmem:v7+s1+$0x0], $0xffff  }
0x3ff: {  	[tilespmem:s21+$0x12080] =	vst.add.f32.msk $0xffff, v1  }
0x400: {  	[tilespmem:s21+$0x12090] =	vst.add.f32.msk $0xffff, v2  }
0x401: {  	[tilespmem:s21+$0x120A0] =	vst.add.f32.msk $0xffff, v3  }
0x402: {  	[tilespmem:s21+$0x120B0] =	vst.add.f32.msk $0xffff, v4  }
0x403: {  	[tilespmem:s21+$0x120C0] =	vst.add.f32.msk $0xffff, v5  }
0x404: {  	s22 =	simm.s32 $0x0;
	s24 =	simm.s32 $0x200;
	[tilespmem:s21+$0x120D0] =	vst.add.f32.msk $0xffff, v6  }
.LBB2_32:
0x405: {  	s22 =	sadd.s32 $0x8, s22;
	[tilespmem:s21+$0x120E0] =	vst.add.f32.msk $0xffff, v0;
	s21 =	sshra.s32 s24, $0x2  }
0x406: {  	v0 =	vld [tilespmem:s21+$0x60F0];
	p0 =	slt.u32 s22, $0x1F8  }
0x407: {  	v1 =	vld [tilespmem:s21+$0x6080]  }
0x408: {  	v2 =	vld [tilespmem:s21+$0x6090]  }
0x409: {  	v3 =	vld [tilespmem:s21+$0x60A0]  }
0x40a: {  	v4 =	vld [tilespmem:s21+$0x60B0]  }
0x40b: {  	v5 =	vld [tilespmem:s21+$0x60C0]  }
0x40c: {  	v6 =	vld [tilespmem:s21+$0x60D0]  }
0x40d: {  	v7 =	vld [tilespmem:s21+$0x60E0]  }
0x40e: {  	v0 =	vld.idx.msk [tilespmem:v0+s1+$0x0], $0xffff  }
0x40f: {  	v1 =	vld.idx.msk [tilespmem:v1+s1+$0x0], $0xffff  }
0x410: {  	v2 =	vld.idx.msk [tilespmem:v2+s1+$0x0], $0xffff  }
0x411: {  	v3 =	vld.idx.msk [tilespmem:v3+s1+$0x0], $0xffff  }
0x412: {  	v4 =	vld.idx.msk [tilespmem:v4+s1+$0x0], $0xffff  }
0x413: {  	v5 =	vld.idx.msk [tilespmem:v5+s1+$0x0], $0xffff  }
0x414: {  	[tilespmem:s21+$0x120F0] =	vst.add.f32.msk $0xffff, v0  }
0x415: {  	v6 =	vld.idx.msk [tilespmem:v6+s1+$0x0], $0xffff  }
0x416: {  	v0 =	vld.idx.msk [tilespmem:v7+s1+$0x0], $0xffff  }
0x417: {  	[tilespmem:s21+$0x12080] =	vst.add.f32.msk $0xffff, v1  }
.Ltmp15:
0x418: {  	[tilespmem:s21+$0x12090] =	vst.add.f32.msk $0xffff, v2;
	(pc) =	sbr.rel @p0 .LBB2_32-.Ltmp15, $4  }
0x419: {  	[tilespmem:s21+$0x120A0] =	vst.add.f32.msk $0xffff, v3  }
0x41a: {  	[tilespmem:s21+$0x120B0] =	vst.add.f32.msk $0xffff, v4  }
0x41b: {  	[tilespmem:s21+$0x120C0] =	vst.add.f32.msk $0xffff, v5  }
0x41c: {  	s24 =	sadd.s32 $0x200, s24;
	[tilespmem:s21+$0x120D0] =	vst.add.f32.msk $0xffff, v6  }
0x41d: {  	[tilespmem:s21+$0x120E0] =	vst.add.f32.msk $0xffff, v0  }
0x41e: {  	s21 =	sld [smem:$0x7FC];
	_ =	sdelay $0x2  }
0x41f: {  	[hbm4b:s21+s1] =	stream.linear.scatter [tilespmem:s30], [sflag:$0x10], $0x2000, $0x38;
	[tilespmem:$0x18080] =	vst v63  }
0x420: {  	_ =	swait.ge [sflag:s18], $0x2000  }
0x421: {  	[sflag:s18] =	ssyncset.done $0x0  }
0x422: {  	[sflag:s18] =	ssyncadd.s32 $0xFFFFE000  }
0x423: {  	_ =	swait.ge [sflag:s19], $0x2000  }
0x424: {  	[sflag:s19] =	ssyncset.done $0x0  }
0x425: {  	[sflag:s19] =	ssyncadd.s32 $0xFFFFE000  }
0x426: {  	_ =	swait.ge [sflag:s8], $0x2000  }
0x427: {  	[sflag:s8] =	ssyncset.done $0x0  }
0x428: {  	[sflag:s8] =	ssyncadd.s32 $0xFFFFE000  }
0x429: {  	_ =	swait.ge [sflag:s10], $0x2000  }
0x42a: {  	[sflag:s10] =	ssyncset.done $0x0  }
0x42b: {  	[sflag:s10] =	ssyncadd.s32 $0xFFFFE000  }
0x42c: {  	_ =	swait.ge [sflag:s4], $0x2000  }
0x42d: {  	[sflag:s4] =	ssyncset.done $0x0  }
0x42e: {  	[sflag:s4] =	ssyncadd.s32 $0xFFFFE000  }
0x42f: {  	_ =	swait.ge [sflag:s15], $0x2000  }
0x430: {  	s24 =	sld [smem:$0x7FD];
	_ =	sdelay $0x1  }
0x431: {  	s20 =	sadd.s32 $0x1, s20  }
0x432: {  	p0 =	sne.s32 s20, s24  }
.Ltmp16:
0x433: {  	_ = 	snop;
	(pc) =	sbr.rel @p0 .LBB2_1-.Ltmp16, $3  }
0x434: {  	_ =	sdelay $0x1  }
0x435: {  	[sflag:s15] =	ssyncset.done $0x0  }
0x436: {  	[sflag:s15] =	ssyncadd.s32 $0xFFFFE000  }
0x437: {  	_ =	sfence.sel $0x180000  }
0x438: {  	[bflag:$0x0] =	sbarrier.arrive $0xFFFF  }
0x439: {  	_ =	strace $0x90000047  }
0x43a: {  	s0 =	stileid.u32;
	[bflag:$0x2] =	sbarrier.arrive $0xFFFF  }
0x43b: {  	p0 =	sne.s32 s0, $0x0;
	s0 =	rddreg [dreg:$0x4]  }
0x43c: {  	s0 =	sadd.s32 @!p0 $0x100000, s0  }
0x43d: {  	[sflag:s0] =	ssyncadd.tile.s32 @!p0 $0x1;
	_ =	shalt  }
.Lfunc_end2:
_tile_overlayer_lowered:
.L_overlay_start_2:
0x43e: {  	(tag) =	ssettag $0x2  }
0x43f: {  	s0 =	rddreg [dreg:$0x0];
	s2 =	stileid.u32  }
0x440: {  	s1 =	rddreg [dreg:$0x1];
	p0 =	sne.s32 s2, $0x0  }
0x441: {  	s3 =	rddreg [dreg:$0x2];
	[bflag:$0x3] =	sbarrier.arrive $0xFFFF;
	s2 =	simm.s32 @!p0 $0x1C13  }
0x442: {  	[timem:s3], [sflag:s2] =	dma.local @!p0 [hbm:s0], s1  }
0x443: {  	s0 =	simm.s32 @!p0 $0x13  }
0x444: {  	_ =	swait.ge @!p0 [sflag:s0], s1  }
0x445: {  	s1 =	ssub.s32 @!p0 $0x0, s1;
	[sflag:s0] =	ssyncset.done @!p0 $0x0  }
0x446: {  	[sflag:s0] =	ssyncadd.s32 @!p0 s1  }
0x447: {  	[bflag:$0x3] =	sbarrier.arrive $0xFFFF  }
0x448: {  	_ =	shalt  }

</sc_bundles>
